<compile_context>
chip_gen: v7x
topology: tpu7x:2x2x1
jax: 0.10.2.dev20260603
libtpu: 0.0.44.dev20260713+nightly
codegen_flags: <defaults>
</compile_context>

<pallas_src>
import jax
import jax.numpy as jnp
from jax import lax
from jax.experimental import pallas as pl
from jax.experimental.pallas import tpu as pltpu
from jax.experimental.pallas import tpu_sc as plsc

N_NODES = 10000
D = 256
E = 160000
NC = 2
NS = 16
NW = NC * NS
EW = E // NW
C = 40
NCHUNK = EW // C
NPAIR = (NCHUNK + 1) // 2
LANES = 16
DSTEP = D // LANES


def _body(h_hbm, src_hbm, dst_hbm, out_hbm, idx_s, idx_d,
          rows_sa, rows_da, rows_sb, rows_db, scores, sem_a, sem_b):
    wid = lax.axis_index("s") * NC + lax.axis_index("c")
    base_w = wid * EW
    last_lane = lax.iota(jnp.int32, LANES) == (LANES - 1)

    pltpu.sync_copy(src_hbm.at[pl.ds(base_w, EW)], idx_s)
    pltpu.sync_copy(dst_hbm.at[pl.ds(base_w, EW)], idx_d)

    def fire(ci, rs, rd, sem):
        sl = pl.ds(ci * C, C)
        pltpu.async_copy(h_hbm.at[idx_s.at[sl]], rs, sem)
        pltpu.async_copy(h_hbm.at[idx_d.at[sl]], rd, sem)

    def drain(rs, rd, sem):
        pltpu.make_async_copy(h_hbm.at[pl.ds(0, C)], rs, sem).wait()
        pltpu.make_async_copy(h_hbm.at[pl.ds(0, C)], rd, sem).wait()

    def compute(ci, rs, rd):
        def edge_body(e, ecarry):
            accs = [rs[e, pl.ds(j * LANES, LANES)]
                    * rd[e, pl.ds(j * LANES, LANES)] for j in range(4)]
            for j in range(4, DSTEP):
                accs[j % 4] = accs[j % 4] + (rs[e, pl.ds(j * LANES, LANES)]
                                             * rd[e, pl.ds(j * LANES, LANES)])
            acc = (accs[0] + accs[1]) + (accs[2] + accs[3])
            tot = plsc.cumsum(acc)
            plsc.store_scatter(scores,
                               [jnp.full((LANES,), ci * C + e, jnp.int32)],
                               tot, mask=last_lane)
            return ecarry

        lax.fori_loop(0, C, edge_body, 0, unroll=4)

    fire(0, rows_sa, rows_da, sem_a)

    def pair_body(g, carry):
        c0 = 2 * g
        c1 = 2 * g + 1

        @pl.when(c1 < NCHUNK)
        def _():
            fire(c1, rows_sb, rows_db, sem_b)

        drain(rows_sa, rows_da, sem_a)
        compute(c0, rows_sa, rows_da)

        @pl.when(c0 + 2 < NCHUNK)
        def _():
            fire(c0 + 2, rows_sa, rows_da, sem_a)

        @pl.when(c1 < NCHUNK)
        def _():
            drain(rows_sb, rows_db, sem_b)
            compute(c1, rows_sb, rows_db)

        return carry

    lax.fori_loop(0, NPAIR, pair_body, 0)
    pltpu.sync_copy(scores, out_hbm.at[pl.ds(base_w, EW)])


@jax.jit
def _score(h, src, dst):
    kern = pl.kernel(
        _body,
        out_type=jax.ShapeDtypeStruct((E,), jnp.float32),
        mesh=plsc.VectorSubcoreMesh(core_axis_name="c", subcore_axis_name="s"),
        scratch_types=[
            pltpu.VMEM((EW,), jnp.int32),
            pltpu.VMEM((EW,), jnp.int32),
            pltpu.VMEM((C, D), jnp.float32),
            pltpu.VMEM((C, D), jnp.float32),
            pltpu.VMEM((C, D), jnp.float32),
            pltpu.VMEM((C, D), jnp.float32),
            pltpu.VMEM((EW,), jnp.float32),
            pltpu.SemaphoreType.DMA,
            pltpu.SemaphoreType.DMA,
        ],
        compiler_params=pltpu.CompilerParams(needs_layout_passes=False),
    )
    return kern(h, src, dst)


def kernel(h, edge_index):
    src = edge_index[0].astype(jnp.int32)
    dst = edge_index[1].astype(jnp.int32)
    return _score(h, src, dst).reshape(E, 1)

# --- scband reference (transcript-rebuilt; emitter-appended) ---
"""Pipeline reference for scband-hetero-dot-product-predictor-2731599200882 (READ-ONLY COPY).

The authoritative reference and input builder live on the scoring server;
editing this copy changes nothing except your own understanding.
"""

import jax, jax.numpy as jnp
import numpy as np

N_NODES = 10000
D_FEAT = 256
N_EDGES = 160000


def setup_inputs(seed: int = 0) -> dict:
    key = jax.random.key(seed)
    k_h, k_e = jax.random.split(key)
    h = jax.random.normal(k_h, (N_NODES, D_FEAT), dtype=jnp.float32)
    edge_index = jax.random.randint(k_e, (2, N_EDGES), 0, N_NODES, dtype=jnp.int64)
    return {"h": h, "edge_index": edge_index}


def reference(h, edge_index):
    # DGL HeteroDotProductPredictor: apply_edges(fn.u_dot_v('h', 'h', 'score'))
    # score[e] = <h[src[e]], h[dst[e]]>, returned with shape [E, 1]
    src = edge_index[0]
    dst = edge_index[1]
    h_src = jnp.take(h, src, axis=0)
    h_dst = jnp.take(h, dst, axis=0)
    score = jnp.sum(h_src * h_dst, axis=-1, keepdims=True)
    return score

if __name__ == "__main__":
    import jax
    _d = setup_inputs()
    print(jax.jit(kernel)(*tuple(_d.values())))

</pallas_src>

<mosaic_0001>
#map = affine_map<(d0, d1) -> (0, 0)>
#map1 = affine_map<(d0, d1) -> (0)>
module attributes {stable_mosaic.version = 14 : i64} {
  func.func @_body(%arg0: i32, %arg1: i32, %arg2: memref<10000x256xf32, #tpu.memory_space<hbm>>, %arg3: memref<160000xi32, #tpu.memory_space<hbm>>, %arg4: memref<160000xi32, #tpu.memory_space<hbm>>, %arg5: memref<160000xf32, #tpu.memory_space<hbm>>, %arg6: memref<5000xi32, #tpu.memory_space<vmem>>, %arg7: memref<5000xi32, #tpu.memory_space<vmem>>, %arg8: memref<40x256xf32, #tpu.memory_space<vmem>>, %arg9: memref<40x256xf32, #tpu.memory_space<vmem>>, %arg10: memref<40x256xf32, #tpu.memory_space<vmem>>, %arg11: memref<40x256xf32, #tpu.memory_space<vmem>>, %arg12: memref<5000xf32, #tpu.memory_space<vmem>>, %arg13: memref<!tpu.dma_semaphore, #tpu.memory_space<semaphore_mem>>, %arg14: memref<!tpu.dma_semaphore, #tpu.memory_space<semaphore_mem>>) attributes {dimension_semantics = [#tpu.dimension_semantics<core_parallel>, #tpu.dimension_semantics<subcore_parallel>], iteration_bounds = array<i64: 2, 16>, scalar_prefetch = 0 : i64, scratch_operands = 9 : i64, tpu.core_type = #tpu.core_type<sc_vector_subcore>, window_params = [{transform_indices = #map}, {transform_indices = #map1}, {transform_indices = #map1}, {transform_indices = #map1}]} {
    %mul3A = arith.constant 2 : i32
    %mul3A_0 = arith.muli %arg1, %mul3A : i32
    %add3A = arith.addi %mul3A_0, %arg0 : i32
    %mul3A_1 = arith.constant 5000 : i32
    %mul3A_2 = arith.muli %add3A, %mul3A_1 : i32
    %iota3A = tpu.iota {dimensions = array<i32: 0>} : vector<16xi32>
    %eq3A = arith.constant 15 : i32
    %eq3A_3 = vector.broadcast %eq3A : i32 to vector<16xi32>
    %eq3A_4 = arith.cmpi eq, %iota3A, %eq3A_3 : vector<16xi32>
    "tpu.region"() ({
      %run_scoped3A = tpu.sem_alloc : memref<!tpu.dma_semaphore, #tpu.memory_space<semaphore_mem>>
      %dma_start3A_19 = tpu.memref_slice %arg3[%mul3A_2] : memref<160000xi32, #tpu.memory_space<hbm>> -> memref<5000xi32, #tpu.memory_space<hbm>>
      %dma_start3A_20 = tpu.memref_slice %arg3[%mul3A_2] : memref<160000xi32, #tpu.memory_space<hbm>> -> memref<5000xi32, #tpu.memory_space<hbm>>
      tpu.enqueue_dma source(%dma_start3A_20 : memref<5000xi32, #tpu.memory_space<hbm>>) target(%arg6 : memref<5000xi32, #tpu.memory_space<vmem>>) target_semaphore(%run_scoped3A : memref<!tpu.dma_semaphore, #tpu.memory_space<semaphore_mem>>)
      %dma_wait3A = tpu.memref_slice %arg3[%mul3A_2] : memref<160000xi32, #tpu.memory_space<hbm>> -> memref<5000xi32, #tpu.memory_space<hbm>>
      %dma_wait3A_21 = tpu.memref_slice %arg3[%mul3A_2] : memref<160000xi32, #tpu.memory_space<hbm>> -> memref<5000xi32, #tpu.memory_space<hbm>>
      tpu.wait_dma2 semaphore(%run_scoped3A : memref<!tpu.dma_semaphore, #tpu.memory_space<semaphore_mem>>) src(%dma_wait3A_21 : memref<5000xi32, #tpu.memory_space<hbm>>) dst(%arg6 : memref<5000xi32, #tpu.memory_space<vmem>>)
      tpu.yield
    }) : () -> ()
    "tpu.region"() ({
      %run_scoped3A = tpu.sem_alloc : memref<!tpu.dma_semaphore, #tpu.memory_space<semaphore_mem>>
      %dma_start3A_19 = tpu.memref_slice %arg4[%mul3A_2] : memref<160000xi32, #tpu.memory_space<hbm>> -> memref<5000xi32, #tpu.memory_space<hbm>>
      %dma_start3A_20 = tpu.memref_slice %arg4[%mul3A_2] : memref<160000xi32, #tpu.memory_space<hbm>> -> memref<5000xi32, #tpu.memory_space<hbm>>
      tpu.enqueue_dma source(%dma_start3A_20 : memref<5000xi32, #tpu.memory_space<hbm>>) target(%arg7 : memref<5000xi32, #tpu.memory_space<vmem>>) target_semaphore(%run_scoped3A : memref<!tpu.dma_semaphore, #tpu.memory_space<semaphore_mem>>)
      %dma_wait3A = tpu.memref_slice %arg4[%mul3A_2] : memref<160000xi32, #tpu.memory_space<hbm>> -> memref<5000xi32, #tpu.memory_space<hbm>>
      %dma_wait3A_21 = tpu.memref_slice %arg4[%mul3A_2] : memref<160000xi32, #tpu.memory_space<hbm>> -> memref<5000xi32, #tpu.memory_space<hbm>>
      tpu.wait_dma2 semaphore(%run_scoped3A : memref<!tpu.dma_semaphore, #tpu.memory_space<semaphore_mem>>) src(%dma_wait3A_21 : memref<5000xi32, #tpu.memory_space<hbm>>) dst(%arg7 : memref<5000xi32, #tpu.memory_space<vmem>>)
      tpu.yield
    }) : () -> ()
    %dma_start3A = arith.constant 0 : i32
    %dma_start3A_5 = tpu.memref_slice %arg6[%dma_start3A] : memref<5000xi32, #tpu.memory_space<vmem>> -> memref<40xi32, #tpu.memory_space<vmem>>
    %dma_start3A_6 = arith.constant 0 : i32
    %dma_start3A_7 = arith.constant 0 : i32
    %dma_start3A_8 = tpu.memref_slice %arg2[%dma_start3A_6, %dma_start3A_7] : memref<10000x256xf32, #tpu.memory_space<hbm>> -> memref<10000x256xf32, #tpu.memory_space<hbm>>
    tpu.enqueue_indirect_dma source(%dma_start3A_8 : memref<10000x256xf32, #tpu.memory_space<hbm>>) target(%arg8 : memref<40x256xf32, #tpu.memory_space<vmem>>) offsets(%dma_start3A_5 : memref<40xi32, #tpu.memory_space<vmem>>) semaphore(%arg13 : memref<!tpu.dma_semaphore, #tpu.memory_space<semaphore_mem>>)
    %dma_start3A_9 = arith.constant 0 : i32
    %dma_start3A_10 = tpu.memref_slice %arg7[%dma_start3A_9] : memref<5000xi32, #tpu.memory_space<vmem>> -> memref<40xi32, #tpu.memory_space<vmem>>
    %dma_start3A_11 = arith.constant 0 : i32
    %dma_start3A_12 = arith.constant 0 : i32
    %dma_start3A_13 = tpu.memref_slice %arg2[%dma_start3A_11, %dma_start3A_12] : memref<10000x256xf32, #tpu.memory_space<hbm>> -> memref<10000x256xf32, #tpu.memory_space<hbm>>
    tpu.enqueue_indirect_dma source(%dma_start3A_13 : memref<10000x256xf32, #tpu.memory_space<hbm>>) target(%arg9 : memref<40x256xf32, #tpu.memory_space<vmem>>) offsets(%dma_start3A_10 : memref<40xi32, #tpu.memory_space<vmem>>) semaphore(%arg13 : memref<!tpu.dma_semaphore, #tpu.memory_space<semaphore_mem>>)
    %scan3A = arith.constant 0 : i32
    %scan3A_14 = arith.constant 0 : i32
    %scan3A_15 = arith.constant 63 : i32
    %scan3A_16 = arith.addi %scan3A_14, %scan3A_15 : i32
    %scan3A_17 = arith.constant 1 : i32
    scf.for %scan3A_19 = %scan3A_14 to %scan3A_16 step %scan3A_17  : i32 {
      %mul3A_20 = arith.constant 2 : i32
      %mul3A_21 = arith.muli %mul3A_20, %scan3A_19 : i32
      %mul3A_22 = arith.constant 2 : i32
      %mul3A_23 = arith.muli %mul3A_22, %scan3A_19 : i32
      %add3A_24 = arith.constant 1 : i32
      %add3A_25 = arith.addi %mul3A_23, %add3A_24 : i32
      %lt3A = arith.constant 125 : i32
      %lt3A_26 = arith.cmpi slt, %add3A_25, %lt3A : i32
      %convert_element_type3A = arith.extui %lt3A_26 : i1 to i32
      %cond3A = arith.constant 0 : i32
      %cond3A_27 = arith.cmpi ne, %convert_element_type3A, %cond3A : i32
      scf.if %cond3A_27 {
        %mul3A_57 = arith.constant 40 : i32
        %mul3A_58 = arith.muli %add3A_25, %mul3A_57 : i32
        %dma_start3A_59 = tpu.memref_slice %arg6[%mul3A_58] : memref<5000xi32, #tpu.memory_space<vmem>> -> memref<40xi32, #tpu.memory_space<vmem>>
        %dma_start3A_60 = arith.constant 0 : i32
        %dma_start3A_61 = arith.constant 0 : i32
        %dma_start3A_62 = tpu.memref_slice %arg2[%dma_start3A_60, %dma_start3A_61] : memref<10000x256xf32, #tpu.memory_space<hbm>> -> memref<10000x256xf32, #tpu.memory_space<hbm>>
        tpu.enqueue_indirect_dma source(%dma_start3A_62 : memref<10000x256xf32, #tpu.memory_space<hbm>>) target(%arg10 : memref<40x256xf32, #tpu.memory_space<vmem>>) offsets(%dma_start3A_59 : memref<40xi32, #tpu.memory_space<vmem>>) semaphore(%arg14 : memref<!tpu.dma_semaphore, #tpu.memory_space<semaphore_mem>>)
        %dma_start3A_63 = tpu.memref_slice %arg7[%mul3A_58] : memref<5000xi32, #tpu.memory_space<vmem>> -> memref<40xi32, #tpu.memory_space<vmem>>
        %dma_start3A_64 = arith.constant 0 : i32
        %dma_start3A_65 = arith.constant 0 : i32
        %dma_start3A_66 = tpu.memref_slice %arg2[%dma_start3A_64, %dma_start3A_65] : memref<10000x256xf32, #tpu.memory_space<hbm>> -> memref<10000x256xf32, #tpu.memory_space<hbm>>
        tpu.enqueue_indirect_dma source(%dma_start3A_66 : memref<10000x256xf32, #tpu.memory_space<hbm>>) target(%arg11 : memref<40x256xf32, #tpu.memory_space<vmem>>) offsets(%dma_start3A_63 : memref<40xi32, #tpu.memory_space<vmem>>) semaphore(%arg14 : memref<!tpu.dma_semaphore, #tpu.memory_space<semaphore_mem>>)
      } else {
      }
      %dma_wait3A = arith.constant 0 : i32
      %dma_wait3A_28 = arith.constant 0 : i32
      %dma_wait3A_29 = tpu.memref_slice %arg2[%dma_wait3A, %dma_wait3A_28] : memref<10000x256xf32, #tpu.memory_space<hbm>> -> memref<40x256xf32, #tpu.memory_space<hbm>>
      %dma_wait3A_30 = arith.constant 0 : i32
      %dma_wait3A_31 = arith.constant 0 : i32
      %dma_wait3A_32 = tpu.memref_slice %arg2[%dma_wait3A_30, %dma_wait3A_31] : memref<10000x256xf32, #tpu.memory_space<hbm>> -> memref<40x256xf32, #tpu.memory_space<hbm>>
      tpu.wait_dma2 semaphore(%arg13 : memref<!tpu.dma_semaphore, #tpu.memory_space<semaphore_mem>>) src(%dma_wait3A_32 : memref<40x256xf32, #tpu.memory_space<hbm>>) dst(%arg8 : memref<40x256xf32, #tpu.memory_space<vmem>>)
      %dma_wait3A_33 = arith.constant 0 : i32
      %dma_wait3A_34 = arith.constant 0 : i32
      %dma_wait3A_35 = tpu.memref_slice %arg2[%dma_wait3A_33, %dma_wait3A_34] : memref<10000x256xf32, #tpu.memory_space<hbm>> -> memref<40x256xf32, #tpu.memory_space<hbm>>
      %dma_wait3A_36 = arith.constant 0 : i32
      %dma_wait3A_37 = arith.constant 0 : i32
      %dma_wait3A_38 = tpu.memref_slice %arg2[%dma_wait3A_36, %dma_wait3A_37] : memref<10000x256xf32, #tpu.memory_space<hbm>> -> memref<40x256xf32, #tpu.memory_space<hbm>>
      tpu.wait_dma2 semaphore(%arg13 : memref<!tpu.dma_semaphore, #tpu.memory_space<semaphore_mem>>) src(%dma_wait3A_38 : memref<40x256xf32, #tpu.memory_space<hbm>>) dst(%arg9 : memref<40x256xf32, #tpu.memory_space<vmem>>)
      %scan3A_39 = arith.constant 0 : i32
      %scan3A_40 = arith.constant 0 : i32
      %scan3A_41 = arith.constant 40 : i32
      %scan3A_42 = arith.addi %scan3A_40, %scan3A_41 : i32
      %scan3A_43 = arith.constant 4 : i32
      scf.for %scan3A_57 = %scan3A_40 to %scan3A_42 step %scan3A_43  : i32 {
        %get3A = arith.index_cast %scan3A_57 : i32 to index
        %get3A_58 = arith.constant 0 : index
        %get3A_59 = tpu.vector_load %arg8[%get3A, %get3A_58] {strides = array<i32>} : memref<40x256xf32, #tpu.memory_space<vmem>>, vector<16xf32>,
        %get3A_60 = arith.index_cast %scan3A_57 : i32 to index
        %get3A_61 = arith.constant 0 : index
        %get3A_62 = tpu.vector_load %arg9[%get3A_60, %get3A_61] {strides = array<i32>} : memref<40x256xf32, #tpu.memory_space<vmem>>, vector<16xf32>,
        %mul3A_63 = arith.mulf %get3A_59, %get3A_62 : vector<16xf32>
        %get3A_64 = arith.index_cast %scan3A_57 : i32 to index
        %get3A_65 = arith.constant 16 : index
        %get3A_66 = tpu.vector_load %arg8[%get3A_64, %get3A_65] {strides = array<i32>} : memref<40x256xf32, #tpu.memory_space<vmem>>, vector<16xf32>,
        %get3A_67 = arith.index_cast %scan3A_57 : i32 to index
        %get3A_68 = arith.constant 16 : index
        %get3A_69 = tpu.vector_load %arg9[%get3A_67, %get3A_68] {strides = array<i32>} : memref<40x256xf32, #tpu.memory_space<vmem>>, vector<16xf32>,
        %mul3A_70 = arith.mulf %get3A_66, %get3A_69 : vector<16xf32>
        %get3A_71 = arith.index_cast %scan3A_57 : i32 to index
        %get3A_72 = arith.constant 32 : index
        %get3A_73 = tpu.vector_load %arg8[%get3A_71, %get3A_72] {strides = array<i32>} : memref<40x256xf32, #tpu.memory_space<vmem>>, vector<16xf32>,
        %get3A_74 = arith.index_cast %scan3A_57 : i32 to index
        %get3A_75 = arith.constant 32 : index
        %get3A_76 = tpu.vector_load %arg9[%get3A_74, %get3A_75] {strides = array<i32>} : memref<40x256xf32, #tpu.memory_space<vmem>>, vector<16xf32>,
        %mul3A_77 = arith.mulf %get3A_73, %get3A_76 : vector<16xf32>
        %get3A_78 = arith.index_cast %scan3A_57 : i32 to index
        %get3A_79 = arith.constant 48 : index
        %get3A_80 = tpu.vector_load %arg8[%get3A_78, %get3A_79] {strides = array<i32>} : memref<40x256xf32, #tpu.memory_space<vmem>>, vector<16xf32>,
        %get3A_81 = arith.index_cast %scan3A_57 : i32 to index
        %get3A_82 = arith.constant 48 : index
        %get3A_83 = tpu.vector_load %arg9[%get3A_81, %get3A_82] {strides = array<i32>} : memref<40x256xf32, #tpu.memory_space<vmem>>, vector<16xf32>,
        %mul3A_84 = arith.mulf %get3A_80, %get3A_83 : vector<16xf32>
        %get3A_85 = arith.index_cast %scan3A_57 : i32 to index
        %get3A_86 = arith.constant 64 : index
        %get3A_87 = tpu.vector_load %arg8[%get3A_85, %get3A_86] {strides = array<i32>} : memref<40x256xf32, #tpu.memory_space<vmem>>, vector<16xf32>,
        %get3A_88 = arith.index_cast %scan3A_57 : i32 to index
        %get3A_89 = arith.constant 64 : index
        %get3A_90 = tpu.vector_load %arg9[%get3A_88, %get3A_89] {strides = array<i32>} : memref<40x256xf32, #tpu.memory_space<vmem>>, vector<16xf32>,
        %mul3A_91 = arith.mulf %get3A_87, %get3A_90 : vector<16xf32>
        %add3A_92 = arith.addf %mul3A_63, %mul3A_91 : vector<16xf32>
        %get3A_93 = arith.index_cast %scan3A_57 : i32 to index
        %get3A_94 = arith.constant 80 : index
        %get3A_95 = tpu.vector_load %arg8[%get3A_93, %get3A_94] {strides = array<i32>} : memref<40x256xf32, #tpu.memory_space<vmem>>, vector<16xf32>,
        %get3A_96 = arith.index_cast %scan3A_57 : i32 to index
        %get3A_97 = arith.constant 80 : index
        %get3A_98 = tpu.vector_load %arg9[%get3A_96, %get3A_97] {strides = array<i32>} : memref<40x256xf32, #tpu.memory_space<vmem>>, vector<16xf32>,
        %mul3A_99 = arith.mulf %get3A_95, %get3A_98 : vector<16xf32>
        %add3A_100 = arith.addf %mul3A_70, %mul3A_99 : vector<16xf32>
        %get3A_101 = arith.index_cast %scan3A_57 : i32 to index
        %get3A_102 = arith.constant 96 : index
        %get3A_103 = tpu.vector_load %arg8[%get3A_101, %get3A_102] {strides = array<i32>} : memref<40x256xf32, #tpu.memory_space<vmem>>, vector<16xf32>,
        %get3A_104 = arith.index_cast %scan3A_57 : i32 to index
        %get3A_105 = arith.constant 96 : index
        %get3A_106 = tpu.vector_load %arg9[%get3A_104, %get3A_105] {strides = array<i32>} : memref<40x256xf32, #tpu.memory_space<vmem>>, vector<16xf32>,
        %mul3A_107 = arith.mulf %get3A_103, %get3A_106 : vector<16xf32>
        %add3A_108 = arith.addf %mul3A_77, %mul3A_107 : vector<16xf32>
        %get3A_109 = arith.index_cast %scan3A_57 : i32 to index
        %get3A_110 = arith.constant 112 : index
        %get3A_111 = tpu.vector_load %arg8[%get3A_109, %get3A_110] {strides = array<i32>} : memref<40x256xf32, #tpu.memory_space<vmem>>, vector<16xf32>,
        %get3A_112 = arith.index_cast %scan3A_57 : i32 to index
        %get3A_113 = arith.constant 112 : index
        %get3A_114 = tpu.vector_load %arg9[%get3A_112, %get3A_113] {strides = array<i32>} : memref<40x256xf32, #tpu.memory_space<vmem>>, vector<16xf32>,
        %mul3A_115 = arith.mulf %get3A_111, %get3A_114 : vector<16xf32>
        %add3A_116 = arith.addf %mul3A_84, %mul3A_115 : vector<16xf32>
        %get3A_117 = arith.index_cast %scan3A_57 : i32 to index
        %get3A_118 = arith.constant 128 : index
        %get3A_119 = tpu.vector_load %arg8[%get3A_117, %get3A_118] {strides = array<i32>} : memref<40x256xf32, #tpu.memory_space<vmem>>, vector<16xf32>,
        %get3A_120 = arith.index_cast %scan3A_57 : i32 to index
        %get3A_121 = arith.constant 128 : index
        %get3A_122 = tpu.vector_load %arg9[%get3A_120, %get3A_121] {strides = array<i32>} : memref<40x256xf32, #tpu.memory_space<vmem>>, vector<16xf32>,
        %mul3A_123 = arith.mulf %get3A_119, %get3A_122 : vector<16xf32>
        %add3A_124 = arith.addf %add3A_92, %mul3A_123 : vector<16xf32>
        %get3A_125 = arith.index_cast %scan3A_57 : i32 to index
        %get3A_126 = arith.constant 144 : index
        %get3A_127 = tpu.vector_load %arg8[%get3A_125, %get3A_126] {strides = array<i32>} : memref<40x256xf32, #tpu.memory_space<vmem>>, vector<16xf32>,
        %get3A_128 = arith.index_cast %scan3A_57 : i32 to index
        %get3A_129 = arith.constant 144 : index
        %get3A_130 = tpu.vector_load %arg9[%get3A_128, %get3A_129] {strides = array<i32>} : memref<40x256xf32, #tpu.memory_space<vmem>>, vector<16xf32>,
        %mul3A_131 = arith.mulf %get3A_127, %get3A_130 : vector<16xf32>
        %add3A_132 = arith.addf %add3A_100, %mul3A_131 : vector<16xf32>
        %get3A_133 = arith.index_cast %scan3A_57 : i32 to index
        %get3A_134 = arith.constant 160 : index
        %get3A_135 = tpu.vector_load %arg8[%get3A_133, %get3A_134] {strides = array<i32>} : memref<40x256xf32, #tpu.memory_space<vmem>>, vector<16xf32>,
        %get3A_136 = arith.index_cast %scan3A_57 : i32 to index
        %get3A_137 = arith.constant 160 : index
        %get3A_138 = tpu.vector_load %arg9[%get3A_136, %get3A_137] {strides = array<i32>} : memref<40x256xf32, #tpu.memory_space<vmem>>, vector<16xf32>,
        %mul3A_139 = arith.mulf %get3A_135, %get3A_138 : vector<16xf32>
        %add3A_140 = arith.addf %add3A_108, %mul3A_139 : vector<16xf32>
        %get3A_141 = arith.index_cast %scan3A_57 : i32 to index
        %get3A_142 = arith.constant 176 : index
        %get3A_143 = tpu.vector_load %arg8[%get3A_141, %get3A_142] {strides = array<i32>} : memref<40x256xf32, #tpu.memory_space<vmem>>, vector<16xf32>,
        %get3A_144 = arith.index_cast %scan3A_57 : i32 to index
        %get3A_145 = arith.constant 176 : index
        %get3A_146 = tpu.vector_load %arg9[%get3A_144, %get3A_145] {strides = array<i32>} : memref<40x256xf32, #tpu.memory_space<vmem>>, vector<16xf32>,
        %mul3A_147 = arith.mulf %get3A_143, %get3A_146 : vector<16xf32>
        %add3A_148 = arith.addf %add3A_116, %mul3A_147 : vector<16xf32>
        %get3A_149 = arith.index_cast %scan3A_57 : i32 to index
        %get3A_150 = arith.constant 192 : index
        %get3A_151 = tpu.vector_load %arg8[%get3A_149, %get3A_150] {strides = array<i32>} : memref<40x256xf32, #tpu.memory_space<vmem>>, vector<16xf32>,
        %get3A_152 = arith.index_cast %scan3A_57 : i32 to index
        %get3A_153 = arith.constant 192 : index
        %get3A_154 = tpu.vector_load %arg9[%get3A_152, %get3A_153] {strides = array<i32>} : memref<40x256xf32, #tpu.memory_space<vmem>>, vector<16xf32>,
        %mul3A_155 = arith.mulf %get3A_151, %get3A_154 : vector<16xf32>
        %add3A_156 = arith.addf %add3A_124, %mul3A_155 : vector<16xf32>
        %get3A_157 = arith.index_cast %scan3A_57 : i32 to index
        %get3A_158 = arith.constant 208 : index
        %get3A_159 = tpu.vector_load %arg8[%get3A_157, %get3A_158] {strides = array<i32>} : memref<40x256xf32, #tpu.memory_space<vmem>>, vector<16xf32>,
        %get3A_160 = arith.index_cast %scan3A_57 : i32 to index
        %get3A_161 = arith.constant 208 : index
        %get3A_162 = tpu.vector_load %arg9[%get3A_160, %get3A_161] {strides = array<i32>} : memref<40x256xf32, #tpu.memory_space<vmem>>, vector<16xf32>,
        %mul3A_163 = arith.mulf %get3A_159, %get3A_162 : vector<16xf32>
        %add3A_164 = arith.addf %add3A_132, %mul3A_163 : vector<16xf32>
        %get3A_165 = arith.index_cast %scan3A_57 : i32 to index
        %get3A_166 = arith.constant 224 : index
        %get3A_167 = tpu.vector_load %arg8[%get3A_165, %get3A_166] {strides = array<i32>} : memref<40x256xf32, #tpu.memory_space<vmem>>, vector<16xf32>,
        %get3A_168 = arith.index_cast %scan3A_57 : i32 to index
        %get3A_169 = arith.constant 224 : index
        %get3A_170 = tpu.vector_load %arg9[%get3A_168, %get3A_169] {strides = array<i32>} : memref<40x256xf32, #tpu.memory_space<vmem>>, vector<16xf32>,
        %mul3A_171 = arith.mulf %get3A_167, %get3A_170 : vector<16xf32>
        %add3A_172 = arith.addf %add3A_140, %mul3A_171 : vector<16xf32>
        %get3A_173 = arith.index_cast %scan3A_57 : i32 to index
        %get3A_174 = arith.constant 240 : index
        %get3A_175 = tpu.vector_load %arg8[%get3A_173, %get3A_174] {strides = array<i32>} : memref<40x256xf32, #tpu.memory_space<vmem>>, vector<16xf32>,
        %get3A_176 = arith.index_cast %scan3A_57 : i32 to index
        %get3A_177 = arith.constant 240 : index
        %get3A_178 = tpu.vector_load %arg9[%get3A_176, %get3A_177] {strides = array<i32>} : memref<40x256xf32, #tpu.memory_space<vmem>>, vector<16xf32>,
        %mul3A_179 = arith.mulf %get3A_175, %get3A_178 : vector<16xf32>
        %add3A_180 = arith.addf %add3A_148, %mul3A_179 : vector<16xf32>
        %add3A_181 = arith.addf %add3A_156, %add3A_164 : vector<16xf32>
        %add3A_182 = arith.addf %add3A_172, %add3A_180 : vector<16xf32>
        %add3A_183 = arith.addf %add3A_181, %add3A_182 : vector<16xf32>
        %broadcast_in_dim3A = arith.constant true
        %broadcast_in_dim3A_184 = vector.broadcast %broadcast_in_dim3A : i1 to vector<16xi1>
        %masked_cumsum3A = tpu.scan <sum>, %add3A_183 masked %broadcast_in_dim3A_184 : vector<16xf32>, vector<16xi1> -> vector<16xf32>
        %mul3A_185 = arith.constant 40 : i32
        %mul3A_186 = arith.muli %mul3A_21, %mul3A_185 : i32
        %add3A_187 = arith.addi %mul3A_186, %scan3A_57 : i32
        %broadcast_in_dim3A_188 = vector.broadcast %add3A_187 : i32 to vector<16xi32>
        tpu.vector_store_idx %arg12[%broadcast_in_dim3A_188], %masked_cumsum3A masked %eq3A_4 : memref<5000xf32, #tpu.memory_space<vmem>>[vector<16xi32>], vector<16xf32>, vector<16xi1>
        %scan3A_189 = arith.constant 1 : i32
        %scan3A_190 = arith.addi %scan3A_57, %scan3A_189 : i32
        %get3A_191 = arith.index_cast %scan3A_190 : i32 to index
        %get3A_192 = arith.constant 0 : index
        %get3A_193 = tpu.vector_load %arg8[%get3A_191, %get3A_192] {strides = array<i32>} : memref<40x256xf32, #tpu.memory_space<vmem>>, vector<16xf32>,
        %get3A_194 = arith.index_cast %scan3A_190 : i32 to index
        %get3A_195 = arith.constant 0 : index
        %get3A_196 = tpu.vector_load %arg9[%get3A_194, %get3A_195] {strides = array<i32>} : memref<40x256xf32, #tpu.memory_space<vmem>>, vector<16xf32>,
        %mul3A_197 = arith.mulf %get3A_193, %get3A_196 : vector<16xf32>
        %get3A_198 = arith.index_cast %scan3A_190 : i32 to index
        %get3A_199 = arith.constant 16 : index
        %get3A_200 = tpu.vector_load %arg8[%get3A_198, %get3A_199] {strides = array<i32>} : memref<40x256xf32, #tpu.memory_space<vmem>>, vector<16xf32>,
        %get3A_201 = arith.index_cast %scan3A_190 : i32 to index
        %get3A_202 = arith.constant 16 : index
        %get3A_203 = tpu.vector_load %arg9[%get3A_201, %get3A_202] {strides = array<i32>} : memref<40x256xf32, #tpu.memory_space<vmem>>, vector<16xf32>,
        %mul3A_204 = arith.mulf %get3A_200, %get3A_203 : vector<16xf32>
        %get3A_205 = arith.index_cast %scan3A_190 : i32 to index
        %get3A_206 = arith.constant 32 : index
        %get3A_207 = tpu.vector_load %arg8[%get3A_205, %get3A_206] {strides = array<i32>} : memref<40x256xf32, #tpu.memory_space<vmem>>, vector<16xf32>,
        %get3A_208 = arith.index_cast %scan3A_190 : i32 to index
        %get3A_209 = arith.constant 32 : index
        %get3A_210 = tpu.vector_load %arg9[%get3A_208, %get3A_209] {strides = array<i32>} : memref<40x256xf32, #tpu.memory_space<vmem>>, vector<16xf32>,
        %mul3A_211 = arith.mulf %get3A_207, %get3A_210 : vector<16xf32>
        %get3A_212 = arith.index_cast %scan3A_190 : i32 to index
        %get3A_213 = arith.constant 48 : index
        %get3A_214 = tpu.vector_load %arg8[%get3A_212, %get3A_213] {strides = array<i32>} : memref<40x256xf32, #tpu.memory_space<vmem>>, vector<16xf32>,
        %get3A_215 = arith.index_cast %scan3A_190 : i32 to index
        %get3A_216 = arith.constant 48 : index
        %get3A_217 = tpu.vector_load %arg9[%get3A_215, %get3A_216] {strides = array<i32>} : memref<40x256xf32, #tpu.memory_space<vmem>>, vector<16xf32>,
        %mul3A_218 = arith.mulf %get3A_214, %get3A_217 : vector<16xf32>
        %get3A_219 = arith.index_cast %scan3A_190 : i32 to index
        %get3A_220 = arith.constant 64 : index
        %get3A_221 = tpu.vector_load %arg8[%get3A_219, %get3A_220] {strides = array<i32>} : memref<40x256xf32, #tpu.memory_space<vmem>>, vector<16xf32>,
        %get3A_222 = arith.index_cast %scan3A_190 : i32 to index
        %get3A_223 = arith.constant 64 : index
        %get3A_224 = tpu.vector_load %arg9[%get3A_222, %get3A_223] {strides = array<i32>} : memref<40x256xf32, #tpu.memory_space<vmem>>, vector<16xf32>,
        %mul3A_225 = arith.mulf %get3A_221, %get3A_224 : vector<16xf32>
        %add3A_226 = arith.addf %mul3A_197, %mul3A_225 : vector<16xf32>
        %get3A_227 = arith.index_cast %scan3A_190 : i32 to index
        %get3A_228 = arith.constant 80 : index
        %get3A_229 = tpu.vector_load %arg8[%get3A_227, %get3A_228] {strides = array<i32>} : memref<40x256xf32, #tpu.memory_space<vmem>>, vector<16xf32>,
        %get3A_230 = arith.index_cast %scan3A_190 : i32 to index
        %get3A_231 = arith.constant 80 : index
        %get3A_232 = tpu.vector_load %arg9[%get3A_230, %get3A_231] {strides = array<i32>} : memref<40x256xf32, #tpu.memory_space<vmem>>, vector<16xf32>,
        %mul3A_233 = arith.mulf %get3A_229, %get3A_232 : vector<16xf32>
        %add3A_234 = arith.addf %mul3A_204, %mul3A_233 : vector<16xf32>
        %get3A_235 = arith.index_cast %scan3A_190 : i32 to index
        %get3A_236 = arith.constant 96 : index
        %get3A_237 = tpu.vector_load %arg8[%get3A_235, %get3A_236] {strides = array<i32>} : memref<40x256xf32, #tpu.memory_space<vmem>>, vector<16xf32>,
        %get3A_238 = arith.index_cast %scan3A_190 : i32 to index
        %get3A_239 = arith.constant 96 : index
        %get3A_240 = tpu.vector_load %arg9[%get3A_238, %get3A_239] {strides = array<i32>} : memref<40x256xf32, #tpu.memory_space<vmem>>, vector<16xf32>,
        %mul3A_241 = arith.mulf %get3A_237, %get3A_240 : vector<16xf32>
        %add3A_242 = arith.addf %mul3A_211, %mul3A_241 : vector<16xf32>
        %get3A_243 = arith.index_cast %scan3A_190 : i32 to index
        %get3A_244 = arith.constant 112 : index
        %get3A_245 = tpu.vector_load %arg8[%get3A_243, %get3A_244] {strides = array<i32>} : memref<40x256xf32, #tpu.memory_space<vmem>>, vector<16xf32>,
        %get3A_246 = arith.index_cast %scan3A_190 : i32 to index
        %get3A_247 = arith.constant 112 : index
        %get3A_248 = tpu.vector_load %arg9[%get3A_246, %get3A_247] {strides = array<i32>} : memref<40x256xf32, #tpu.memory_space<vmem>>, vector<16xf32>,
        %mul3A_249 = arith.mulf %get3A_245, %get3A_248 : vector<16xf32>
        %add3A_250 = arith.addf %mul3A_218, %mul3A_249 : vector<16xf32>
        %get3A_251 = arith.index_cast %scan3A_190 : i32 to index
        %get3A_252 = arith.constant 128 : index
        %get3A_253 = tpu.vector_load %arg8[%get3A_251, %get3A_252] {strides = array<i32>} : memref<40x256xf32, #tpu.memory_space<vmem>>, vector<16xf32>,
        %get3A_254 = arith.index_cast %scan3A_190 : i32 to index
        %get3A_255 = arith.constant 128 : index
        %get3A_256 = tpu.vector_load %arg9[%get3A_254, %get3A_255] {strides = array<i32>} : memref<40x256xf32, #tpu.memory_space<vmem>>, vector<16xf32>,
        %mul3A_257 = arith.mulf %get3A_253, %get3A_256 : vector<16xf32>
        %add3A_258 = arith.addf %add3A_226, %mul3A_257 : vector<16xf32>
        %get3A_259 = arith.index_cast %scan3A_190 : i32 to index
        %get3A_260 = arith.constant 144 : index
        %get3A_261 = tpu.vector_load %arg8[%get3A_259, %get3A_260] {strides = array<i32>} : memref<40x256xf32, #tpu.memory_space<vmem>>, vector<16xf32>,
        %get3A_262 = arith.index_cast %scan3A_190 : i32 to index
        %get3A_263 = arith.constant 144 : index
        %get3A_264 = tpu.vector_load %arg9[%get3A_262, %get3A_263] {strides = array<i32>} : memref<40x256xf32, #tpu.memory_space<vmem>>, vector<16xf32>,
        %mul3A_265 = arith.mulf %get3A_261, %get3A_264 : vector<16xf32>
        %add3A_266 = arith.addf %add3A_234, %mul3A_265 : vector<16xf32>
        %get3A_267 = arith.index_cast %scan3A_190 : i32 to index
        %get3A_268 = arith.constant 160 : index
        %get3A_269 = tpu.vector_load %arg8[%get3A_267, %get3A_268] {strides = array<i32>} : memref<40x256xf32, #tpu.memory_space<vmem>>, vector<16xf32>,
        %get3A_270 = arith.index_cast %scan3A_190 : i32 to index
        %get3A_271 = arith.constant 160 : index
        %get3A_272 = tpu.vector_load %arg9[%get3A_270, %get3A_271] {strides = array<i32>} : memref<40x256xf32, #tpu.memory_space<vmem>>, vector<16xf32>,
        %mul3A_273 = arith.mulf %get3A_269, %get3A_272 : vector<16xf32>
        %add3A_274 = arith.addf %add3A_242, %mul3A_273 : vector<16xf32>
        %get3A_275 = arith.index_cast %scan3A_190 : i32 to index
        %get3A_276 = arith.constant 176 : index
        %get3A_277 = tpu.vector_load %arg8[%get3A_275, %get3A_276] {strides = array<i32>} : memref<40x256xf32, #tpu.memory_space<vmem>>, vector<16xf32>,
        %get3A_278 = arith.index_cast %scan3A_190 : i32 to index
        %get3A_279 = arith.constant 176 : index
        %get3A_280 = tpu.vector_load %arg9[%get3A_278, %get3A_279] {strides = array<i32>} : memref<40x256xf32, #tpu.memory_space<vmem>>, vector<16xf32>,
        %mul3A_281 = arith.mulf %get3A_277, %get3A_280 : vector<16xf32>
        %add3A_282 = arith.addf %add3A_250, %mul3A_281 : vector<16xf32>
        %get3A_283 = arith.index_cast %scan3A_190 : i32 to index
        %get3A_284 = arith.constant 192 : index
        %get3A_285 = tpu.vector_load %arg8[%get3A_283, %get3A_284] {strides = array<i32>} : memref<40x256xf32, #tpu.memory_space<vmem>>, vector<16xf32>,
        %get3A_286 = arith.index_cast %scan3A_190 : i32 to index
        %get3A_287 = arith.constant 192 : index
        %get3A_288 = tpu.vector_load %arg9[%get3A_286, %get3A_287] {strides = array<i32>} : memref<40x256xf32, #tpu.memory_space<vmem>>, vector<16xf32>,
        %mul3A_289 = arith.mulf %get3A_285, %get3A_288 : vector<16xf32>
        %add3A_290 = arith.addf %add3A_258, %mul3A_289 : vector<16xf32>
        %get3A_291 = arith.index_cast %scan3A_190 : i32 to index
        %get3A_292 = arith.constant 208 : index
        %get3A_293 = tpu.vector_load %arg8[%get3A_291, %get3A_292] {strides = array<i32>} : memref<40x256xf32, #tpu.memory_space<vmem>>, vector<16xf32>,
        %get3A_294 = arith.index_cast %scan3A_190 : i32 to index
        %get3A_295 = arith.constant 208 : index
        %get3A_296 = tpu.vector_load %arg9[%get3A_294, %get3A_295] {strides = array<i32>} : memref<40x256xf32, #tpu.memory_space<vmem>>, vector<16xf32>,
        %mul3A_297 = arith.mulf %get3A_293, %get3A_296 : vector<16xf32>
        %add3A_298 = arith.addf %add3A_266, %mul3A_297 : vector<16xf32>
        %get3A_299 = arith.index_cast %scan3A_190 : i32 to index
        %get3A_300 = arith.constant 224 : index
        %get3A_301 = tpu.vector_load %arg8[%get3A_299, %get3A_300] {strides = array<i32>} : memref<40x256xf32, #tpu.memory_space<vmem>>, vector<16xf32>,
        %get3A_302 = arith.index_cast %scan3A_190 : i32 to index
        %get3A_303 = arith.constant 224 : index
        %get3A_304 = tpu.vector_load %arg9[%get3A_302, %get3A_303] {strides = array<i32>} : memref<40x256xf32, #tpu.memory_space<vmem>>, vector<16xf32>,
        %mul3A_305 = arith.mulf %get3A_301, %get3A_304 : vector<16xf32>
        %add3A_306 = arith.addf %add3A_274, %mul3A_305 : vector<16xf32>
        %get3A_307 = arith.index_cast %scan3A_190 : i32 to index
        %get3A_308 = arith.constant 240 : index
        %get3A_309 = tpu.vector_load %arg8[%get3A_307, %get3A_308] {strides = array<i32>} : memref<40x256xf32, #tpu.memory_space<vmem>>, vector<16xf32>,
        %get3A_310 = arith.index_cast %scan3A_190 : i32 to index
        %get3A_311 = arith.constant 240 : index
        %get3A_312 = tpu.vector_load %arg9[%get3A_310, %get3A_311] {strides = array<i32>} : memref<40x256xf32, #tpu.memory_space<vmem>>, vector<16xf32>,
        %mul3A_313 = arith.mulf %get3A_309, %get3A_312 : vector<16xf32>
        %add3A_314 = arith.addf %add3A_282, %mul3A_313 : vector<16xf32>
        %add3A_315 = arith.addf %add3A_290, %add3A_298 : vector<16xf32>
        %add3A_316 = arith.addf %add3A_306, %add3A_314 : vector<16xf32>
        %add3A_317 = arith.addf %add3A_315, %add3A_316 : vector<16xf32>
        %broadcast_in_dim3A_318 = arith.constant true
        %broadcast_in_dim3A_319 = vector.broadcast %broadcast_in_dim3A_318 : i1 to vector<16xi1>
        %masked_cumsum3A_320 = tpu.scan <sum>, %add3A_317 masked %broadcast_in_dim3A_319 : vector<16xf32>, vector<16xi1> -> vector<16xf32>
        %mul3A_321 = arith.constant 40 : i32
        %mul3A_322 = arith.muli %mul3A_21, %mul3A_321 : i32
        %add3A_323 = arith.addi %mul3A_322, %scan3A_190 : i32
        %broadcast_in_dim3A_324 = vector.broadcast %add3A_323 : i32 to vector<16xi32>
        tpu.vector_store_idx %arg12[%broadcast_in_dim3A_324], %masked_cumsum3A_320 masked %eq3A_4 : memref<5000xf32, #tpu.memory_space<vmem>>[vector<16xi32>], vector<16xf32>, vector<16xi1>
        %scan3A_325 = arith.constant 2 : i32
        %scan3A_326 = arith.addi %scan3A_57, %scan3A_325 : i32
        %get3A_327 = arith.index_cast %scan3A_326 : i32 to index
        %get3A_328 = arith.constant 0 : index
        %get3A_329 = tpu.vector_load %arg8[%get3A_327, %get3A_328] {strides = array<i32>} : memref<40x256xf32, #tpu.memory_space<vmem>>, vector<16xf32>,
        %get3A_330 = arith.index_cast %scan3A_326 : i32 to index
        %get3A_331 = arith.constant 0 : index
        %get3A_332 = tpu.vector_load %arg9[%get3A_330, %get3A_331] {strides = array<i32>} : memref<40x256xf32, #tpu.memory_space<vmem>>, vector<16xf32>,
        %mul3A_333 = arith.mulf %get3A_329, %get3A_332 : vector<16xf32>
        %get3A_334 = arith.index_cast %scan3A_326 : i32 to index
        %get3A_335 = arith.constant 16 : index
        %get3A_336 = tpu.vector_load %arg8[%get3A_334, %get3A_335] {strides = array<i32>} : memref<40x256xf32, #tpu.memory_space<vmem>>, vector<16xf32>,
        %get3A_337 = arith.index_cast %scan3A_326 : i32 to index
        %get3A_338 = arith.constant 16 : index
        %get3A_339 = tpu.vector_load %arg9[%get3A_337, %get3A_338] {strides = array<i32>} : memref<40x256xf32, #tpu.memory_space<vmem>>, vector<16xf32>,
        %mul3A_340 = arith.mulf %get3A_336, %get3A_339 : vector<16xf32>
        %get3A_341 = arith.index_cast %scan3A_326 : i32 to index
        %get3A_342 = arith.constant 32 : index
        %get3A_343 = tpu.vector_load %arg8[%get3A_341, %get3A_342] {strides = array<i32>} : memref<40x256xf32, #tpu.memory_space<vmem>>, vector<16xf32>,
        %get3A_344 = arith.index_cast %scan3A_326 : i32 to index
        %get3A_345 = arith.constant 32 : index
        %get3A_346 = tpu.vector_load %arg9[%get3A_344, %get3A_345] {strides = array<i32>} : memref<40x256xf32, #tpu.memory_space<vmem>>, vector<16xf32>,
        %mul3A_347 = arith.mulf %get3A_343, %get3A_346 : vector<16xf32>
        %get3A_348 = arith.index_cast %scan3A_326 : i32 to index
        %get3A_349 = arith.constant 48 : index
        %get3A_350 = tpu.vector_load %arg8[%get3A_348, %get3A_349] {strides = array<i32>} : memref<40x256xf32, #tpu.memory_space<vmem>>, vector<16xf32>,
        %get3A_351 = arith.index_cast %scan3A_326 : i32 to index
        %get3A_352 = arith.constant 48 : index
        %get3A_353 = tpu.vector_load %arg9[%get3A_351, %get3A_352] {strides = array<i32>} : memref<40x256xf32, #tpu.memory_space<vmem>>, vector<16xf32>,
        %mul3A_354 = arith.mulf %get3A_350, %get3A_353 : vector<16xf32>
        %get3A_355 = arith.index_cast %scan3A_326 : i32 to index
        %get3A_356 = arith.constant 64 : index
        %get3A_357 = tpu.vector_load %arg8[%get3A_355, %get3A_356] {strides = array<i32>} : memref<40x256xf32, #tpu.memory_space<vmem>>, vector<16xf32>,
        %get3A_358 = arith.index_cast %scan3A_326 : i32 to index
        %get3A_359 = arith.constant 64 : index
        %get3A_360 = tpu.vector_load %arg9[%get3A_358, %get3A_359] {strides = array<i32>} : memref<40x256xf32, #tpu.memory_space<vmem>>, vector<16xf32>,
        %mul3A_361 = arith.mulf %get3A_357, %get3A_360 : vector<16xf32>
        %add3A_362 = arith.addf %mul3A_333, %mul3A_361 : vector<16xf32>
        %get3A_363 = arith.index_cast %scan3A_326 : i32 to index
        %get3A_364 = arith.constant 80 : index
        %get3A_365 = tpu.vector_load %arg8[%get3A_363, %get3A_364] {strides = array<i32>} : memref<40x256xf32, #tpu.memory_space<vmem>>, vector<16xf32>,
        %get3A_366 = arith.index_cast %scan3A_326 : i32 to index
        %get3A_367 = arith.constant 80 : index
        %get3A_368 = tpu.vector_load %arg9[%get3A_366, %get3A_367] {strides = array<i32>} : memref<40x256xf32, #tpu.memory_space<vmem>>, vector<16xf32>,
        %mul3A_369 = arith.mulf %get3A_365, %get3A_368 : vector<16xf32>
        %add3A_370 = arith.addf %mul3A_340, %mul3A_369 : vector<16xf32>
        %get3A_371 = arith.index_cast %scan3A_326 : i32 to index
        %get3A_372 = arith.constant 96 : index
        %get3A_373 = tpu.vector_load %arg8[%get3A_371, %get3A_372] {strides = array<i32>} : memref<40x256xf32, #tpu.memory_space<vmem>>, vector<16xf32>,
        %get3A_374 = arith.index_cast %scan3A_326 : i32 to index
        %get3A_375 = arith.constant 96 : index
        %get3A_376 = tpu.vector_load %arg9[%get3A_374, %get3A_375] {strides = array<i32>} : memref<40x256xf32, #tpu.memory_space<vmem>>, vector<16xf32>,
        %mul3A_377 = arith.mulf %get3A_373, %get3A_376 : vector<16xf32>
        %add3A_378 = arith.addf %mul3A_347, %mul3A_377 : vector<16xf32>
        %get3A_379 = arith.index_cast %scan3A_326 : i32 to index
        %get3A_380 = arith.constant 112 : index
        %get3A_381 = tpu.vector_load %arg8[%get3A_379, %get3A_380] {strides = array<i32>} : memref<40x256xf32, #tpu.memory_space<vmem>>, vector<16xf32>,
        %get3A_382 = arith.index_cast %scan3A_326 : i32 to index
        %get3A_383 = arith.constant 112 : index
        %get3A_384 = tpu.vector_load %arg9[%get3A_382, %get3A_383] {strides = array<i32>} : memref<40x256xf32, #tpu.memory_space<vmem>>, vector<16xf32>,
        %mul3A_385 = arith.mulf %get3A_381, %get3A_384 : vector<16xf32>
        %add3A_386 = arith.addf %mul3A_354, %mul3A_385 : vector<16xf32>
        %get3A_387 = arith.index_cast %scan3A_326 : i32 to index
        %get3A_388 = arith.constant 128 : index
        %get3A_389 = tpu.vector_load %arg8[%get3A_387, %get3A_388] {strides = array<i32>} : memref<40x256xf32, #tpu.memory_space<vmem>>, vector<16xf32>,
        %get3A_390 = arith.index_cast %scan3A_326 : i32 to index
        %get3A_391 = arith.constant 128 : index
        %get3A_392 = tpu.vector_load %arg9[%get3A_390, %get3A_391] {strides = array<i32>} : memref<40x256xf32, #tpu.memory_space<vmem>>, vector<16xf32>,
        %mul3A_393 = arith.mulf %get3A_389, %get3A_392 : vector<16xf32>
        %add3A_394 = arith.addf %add3A_362, %mul3A_393 : vector<16xf32>
        %get3A_395 = arith.index_cast %scan3A_326 : i32 to index
        %get3A_396 = arith.constant 144 : index
        %get3A_397 = tpu.vector_load %arg8[%get3A_395, %get3A_396] {strides = array<i32>} : memref<40x256xf32, #tpu.memory_space<vmem>>, vector<16xf32>,
        %get3A_398 = arith.index_cast %scan3A_326 : i32 to index
        %get3A_399 = arith.constant 144 : index
        %get3A_400 = tpu.vector_load %arg9[%get3A_398, %get3A_399] {strides = array<i32>} : memref<40x256xf32, #tpu.memory_space<vmem>>, vector<16xf32>,
        %mul3A_401 = arith.mulf %get3A_397, %get3A_400 : vector<16xf32>
        %add3A_402 = arith.addf %add3A_370, %mul3A_401 : vector<16xf32>
        %get3A_403 = arith.index_cast %scan3A_326 : i32 to index
        %get3A_404 = arith.constant 160 : index
        %get3A_405 = tpu.vector_load %arg8[%get3A_403, %get3A_404] {strides = array<i32>} : memref<40x256xf32, #tpu.memory_space<vmem>>, vector<16xf32>,
        %get3A_406 = arith.index_cast %scan3A_326 : i32 to index
        %get3A_407 = arith.constant 160 : index
        %get3A_408 = tpu.vector_load %arg9[%get3A_406, %get3A_407] {strides = array<i32>} : memref<40x256xf32, #tpu.memory_space<vmem>>, vector<16xf32>,
        %mul3A_409 = arith.mulf %get3A_405, %get3A_408 : vector<16xf32>
        %add3A_410 = arith.addf %add3A_378, %mul3A_409 : vector<16xf32>
        %get3A_411 = arith.index_cast %scan3A_326 : i32 to index
        %get3A_412 = arith.constant 176 : index
        %get3A_413 = tpu.vector_load %arg8[%get3A_411, %get3A_412] {strides = array<i32>} : memref<40x256xf32, #tpu.memory_space<vmem>>, vector<16xf32>,
        %get3A_414 = arith.index_cast %scan3A_326 : i32 to index
        %get3A_415 = arith.constant 176 : index
        %get3A_416 = tpu.vector_load %arg9[%get3A_414, %get3A_415] {strides = array<i32>} : memref<40x256xf32, #tpu.memory_space<vmem>>, vector<16xf32>,
        %mul3A_417 = arith.mulf %get3A_413, %get3A_416 : vector<16xf32>
        %add3A_418 = arith.addf %add3A_386, %mul3A_417 : vector<16xf32>
        %get3A_419 = arith.index_cast %scan3A_326 : i32 to index
        %get3A_420 = arith.constant 192 : index
        %get3A_421 = tpu.vector_load %arg8[%get3A_419, %get3A_420] {strides = array<i32>} : memref<40x256xf32, #tpu.memory_space<vmem>>, vector<16xf32>,
        %get3A_422 = arith.index_cast %scan3A_326 : i32 to index
        %get3A_423 = arith.constant 192 : index
        %get3A_424 = tpu.vector_load %arg9[%get3A_422, %get3A_423] {strides = array<i32>} : memref<40x256xf32, #tpu.memory_space<vmem>>, vector<16xf32>,
        %mul3A_425 = arith.mulf %get3A_421, %get3A_424 : vector<16xf32>
        %add3A_426 = arith.addf %add3A_394, %mul3A_425 : vector<16xf32>
        %get3A_427 = arith.index_cast %scan3A_326 : i32 to index
        %get3A_428 = arith.constant 208 : index
        %get3A_429 = tpu.vector_load %arg8[%get3A_427, %get3A_428] {strides = array<i32>} : memref<40x256xf32, #tpu.memory_space<vmem>>, vector<16xf32>,
        %get3A_430 = arith.index_cast %scan3A_326 : i32 to index
        %get3A_431 = arith.constant 208 : index
        %get3A_432 = tpu.vector_load %arg9[%get3A_430, %get3A_431] {strides = array<i32>} : memref<40x256xf32, #tpu.memory_space<vmem>>, vector<16xf32>,
        %mul3A_433 = arith.mulf %get3A_429, %get3A_432 : vector<16xf32>
        %add3A_434 = arith.addf %add3A_402, %mul3A_433 : vector<16xf32>
        %get3A_435 = arith.index_cast %scan3A_326 : i32 to index
        %get3A_436 = arith.constant 224 : index
        %get3A_437 = tpu.vector_load %arg8[%get3A_435, %get3A_436] {strides = array<i32>} : memref<40x256xf32, #tpu.memory_space<vmem>>, vector<16xf32>,
        %get3A_438 = arith.index_cast %scan3A_326 : i32 to index
        %get3A_439 = arith.constant 224 : index
        %get3A_440 = tpu.vector_load %arg9[%get3A_438, %get3A_439] {strides = array<i32>} : memref<40x256xf32, #tpu.memory_space<vmem>>, vector<16xf32>,
        %mul3A_441 = arith.mulf %get3A_437, %get3A_440 : vector<16xf32>
        %add3A_442 = arith.addf %add3A_410, %mul3A_441 : vector<16xf32>
        %get3A_443 = arith.index_cast %scan3A_326 : i32 to index
        %get3A_444 = arith.constant 240 : index
        %get3A_445 = tpu.vector_load %arg8[%get3A_443, %get3A_444] {strides = array<i32>} : memref<40x256xf32, #tpu.memory_space<vmem>>, vector<16xf32>,
        %get3A_446 = arith.index_cast %scan3A_326 : i32 to index
        %get3A_447 = arith.constant 240 : index
        %get3A_448 = tpu.vector_load %arg9[%get3A_446, %get3A_447] {strides = array<i32>} : memref<40x256xf32, #tpu.memory_space<vmem>>, vector<16xf32>,
        %mul3A_449 = arith.mulf %get3A_445, %get3A_448 : vector<16xf32>
        %add3A_450 = arith.addf %add3A_418, %mul3A_449 : vector<16xf32>
        %add3A_451 = arith.addf %add3A_426, %add3A_434 : vector<16xf32>
        %add3A_452 = arith.addf %add3A_442, %add3A_450 : vector<16xf32>
        %add3A_453 = arith.addf %add3A_451, %add3A_452 : vector<16xf32>
        %broadcast_in_dim3A_454 = arith.constant true
        %broadcast_in_dim3A_455 = vector.broadcast %broadcast_in_dim3A_454 : i1 to vector<16xi1>
        %masked_cumsum3A_456 = tpu.scan <sum>, %add3A_453 masked %broadcast_in_dim3A_455 : vector<16xf32>, vector<16xi1> -> vector<16xf32>
        %mul3A_457 = arith.constant 40 : i32
        %mul3A_458 = arith.muli %mul3A_21, %mul3A_457 : i32
        %add3A_459 = arith.addi %mul3A_458, %scan3A_326 : i32
        %broadcast_in_dim3A_460 = vector.broadcast %add3A_459 : i32 to vector<16xi32>
        tpu.vector_store_idx %arg12[%broadcast_in_dim3A_460], %masked_cumsum3A_456 masked %eq3A_4 : memref<5000xf32, #tpu.memory_space<vmem>>[vector<16xi32>], vector<16xf32>, vector<16xi1>
        %scan3A_461 = arith.constant 3 : i32
        %scan3A_462 = arith.addi %scan3A_57, %scan3A_461 : i32
        %get3A_463 = arith.index_cast %scan3A_462 : i32 to index
        %get3A_464 = arith.constant 0 : index
        %get3A_465 = tpu.vector_load %arg8[%get3A_463, %get3A_464] {strides = array<i32>} : memref<40x256xf32, #tpu.memory_space<vmem>>, vector<16xf32>,
        %get3A_466 = arith.index_cast %scan3A_462 : i32 to index
        %get3A_467 = arith.constant 0 : index
        %get3A_468 = tpu.vector_load %arg9[%get3A_466, %get3A_467] {strides = array<i32>} : memref<40x256xf32, #tpu.memory_space<vmem>>, vector<16xf32>,
        %mul3A_469 = arith.mulf %get3A_465, %get3A_468 : vector<16xf32>
        %get3A_470 = arith.index_cast %scan3A_462 : i32 to index
        %get3A_471 = arith.constant 16 : index
        %get3A_472 = tpu.vector_load %arg8[%get3A_470, %get3A_471] {strides = array<i32>} : memref<40x256xf32, #tpu.memory_space<vmem>>, vector<16xf32>,
        %get3A_473 = arith.index_cast %scan3A_462 : i32 to index
        %get3A_474 = arith.constant 16 : index
        %get3A_475 = tpu.vector_load %arg9[%get3A_473, %get3A_474] {strides = array<i32>} : memref<40x256xf32, #tpu.memory_space<vmem>>, vector<16xf32>,
        %mul3A_476 = arith.mulf %get3A_472, %get3A_475 : vector<16xf32>
        %get3A_477 = arith.index_cast %scan3A_462 : i32 to index
        %get3A_478 = arith.constant 32 : index
        %get3A_479 = tpu.vector_load %arg8[%get3A_477, %get3A_478] {strides = array<i32>} : memref<40x256xf32, #tpu.memory_space<vmem>>, vector<16xf32>,
        %get3A_480 = arith.index_cast %scan3A_462 : i32 to index
        %get3A_481 = arith.constant 32 : index
        %get3A_482 = tpu.vector_load %arg9[%get3A_480, %get3A_481] {strides = array<i32>} : memref<40x256xf32, #tpu.memory_space<vmem>>, vector<16xf32>,
        %mul3A_483 = arith.mulf %get3A_479, %get3A_482 : vector<16xf32>
        %get3A_484 = arith.index_cast %scan3A_462 : i32 to index
        %get3A_485 = arith.constant 48 : index
        %get3A_486 = tpu.vector_load %arg8[%get3A_484, %get3A_485] {strides = array<i32>} : memref<40x256xf32, #tpu.memory_space<vmem>>, vector<16xf32>,
        %get3A_487 = arith.index_cast %scan3A_462 : i32 to index
        %get3A_488 = arith.constant 48 : index
        %get3A_489 = tpu.vector_load %arg9[%get3A_487, %get3A_488] {strides = array<i32>} : memref<40x256xf32, #tpu.memory_space<vmem>>, vector<16xf32>,
        %mul3A_490 = arith.mulf %get3A_486, %get3A_489 : vector<16xf32>
        %get3A_491 = arith.index_cast %scan3A_462 : i32 to index
        %get3A_492 = arith.constant 64 : index
        %get3A_493 = tpu.vector_load %arg8[%get3A_491, %get3A_492] {strides = array<i32>} : memref<40x256xf32, #tpu.memory_space<vmem>>, vector<16xf32>,
        %get3A_494 = arith.index_cast %scan3A_462 : i32 to index
        %get3A_495 = arith.constant 64 : index
        %get3A_496 = tpu.vector_load %arg9[%get3A_494, %get3A_495] {strides = array<i32>} : memref<40x256xf32, #tpu.memory_space<vmem>>, vector<16xf32>,
        %mul3A_497 = arith.mulf %get3A_493, %get3A_496 : vector<16xf32>
        %add3A_498 = arith.addf %mul3A_469, %mul3A_497 : vector<16xf32>
        %get3A_499 = arith.index_cast %scan3A_462 : i32 to index
        %get3A_500 = arith.constant 80 : index
        %get3A_501 = tpu.vector_load %arg8[%get3A_499, %get3A_500] {strides = array<i32>} : memref<40x256xf32, #tpu.memory_space<vmem>>, vector<16xf32>,
        %get3A_502 = arith.index_cast %scan3A_462 : i32 to index
        %get3A_503 = arith.constant 80 : index
        %get3A_504 = tpu.vector_load %arg9[%get3A_502, %get3A_503] {strides = array<i32>} : memref<40x256xf32, #tpu.memory_space<vmem>>, vector<16xf32>,
        %mul3A_505 = arith.mulf %get3A_501, %get3A_504 : vector<16xf32>
        %add3A_506 = arith.addf %mul3A_476, %mul3A_505 : vector<16xf32>
        %get3A_507 = arith.index_cast %scan3A_462 : i32 to index
        %get3A_508 = arith.constant 96 : index
        %get3A_509 = tpu.vector_load %arg8[%get3A_507, %get3A_508] {strides = array<i32>} : memref<40x256xf32, #tpu.memory_space<vmem>>, vector<16xf32>,
        %get3A_510 = arith.index_cast %scan3A_462 : i32 to index
        %get3A_511 = arith.constant 96 : index
        %get3A_512 = tpu.vector_load %arg9[%get3A_510, %get3A_511] {strides = array<i32>} : memref<40x256xf32, #tpu.memory_space<vmem>>, vector<16xf32>,
        %mul3A_513 = arith.mulf %get3A_509, %get3A_512 : vector<16xf32>
        %add3A_514 = arith.addf %mul3A_483, %mul3A_513 : vector<16xf32>
        %get3A_515 = arith.index_cast %scan3A_462 : i32 to index
        %get3A_516 = arith.constant 112 : index
        %get3A_517 = tpu.vector_load %arg8[%get3A_515, %get3A_516] {strides = array<i32>} : memref<40x256xf32, #tpu.memory_space<vmem>>, vector<16xf32>,
        %get3A_518 = arith.index_cast %scan3A_462 : i32 to index
        %get3A_519 = arith.constant 112 : index
        %get3A_520 = tpu.vector_load %arg9[%get3A_518, %get3A_519] {strides = array<i32>} : memref<40x256xf32, #tpu.memory_space<vmem>>, vector<16xf32>,
        %mul3A_521 = arith.mulf %get3A_517, %get3A_520 : vector<16xf32>
        %add3A_522 = arith.addf %mul3A_490, %mul3A_521 : vector<16xf32>
        %get3A_523 = arith.index_cast %scan3A_462 : i32 to index
        %get3A_524 = arith.constant 128 : index
        %get3A_525 = tpu.vector_load %arg8[%get3A_523, %get3A_524] {strides = array<i32>} : memref<40x256xf32, #tpu.memory_space<vmem>>, vector<16xf32>,
        %get3A_526 = arith.index_cast %scan3A_462 : i32 to index
        %get3A_527 = arith.constant 128 : index
        %get3A_528 = tpu.vector_load %arg9[%get3A_526, %get3A_527] {strides = array<i32>} : memref<40x256xf32, #tpu.memory_space<vmem>>, vector<16xf32>,
        %mul3A_529 = arith.mulf %get3A_525, %get3A_528 : vector<16xf32>
        %add3A_530 = arith.addf %add3A_498, %mul3A_529 : vector<16xf32>
        %get3A_531 = arith.index_cast %scan3A_462 : i32 to index
        %get3A_532 = arith.constant 144 : index
        %get3A_533 = tpu.vector_load %arg8[%get3A_531, %get3A_532] {strides = array<i32>} : memref<40x256xf32, #tpu.memory_space<vmem>>, vector<16xf32>,
        %get3A_534 = arith.index_cast %scan3A_462 : i32 to index
        %get3A_535 = arith.constant 144 : index
        %get3A_536 = tpu.vector_load %arg9[%get3A_534, %get3A_535] {strides = array<i32>} : memref<40x256xf32, #tpu.memory_space<vmem>>, vector<16xf32>,
        %mul3A_537 = arith.mulf %get3A_533, %get3A_536 : vector<16xf32>
        %add3A_538 = arith.addf %add3A_506, %mul3A_537 : vector<16xf32>
        %get3A_539 = arith.index_cast %scan3A_462 : i32 to index
        %get3A_540 = arith.constant 160 : index
        %get3A_541 = tpu.vector_load %arg8[%get3A_539, %get3A_540] {strides = array<i32>} : memref<40x256xf32, #tpu.memory_space<vmem>>, vector<16xf32>,
        %get3A_542 = arith.index_cast %scan3A_462 : i32 to index
        %get3A_543 = arith.constant 160 : index
        %get3A_544 = tpu.vector_load %arg9[%get3A_542, %get3A_543] {strides = array<i32>} : memref<40x256xf32, #tpu.memory_space<vmem>>, vector<16xf32>,
        %mul3A_545 = arith.mulf %get3A_541, %get3A_544 : vector<16xf32>
        %add3A_546 = arith.addf %add3A_514, %mul3A_545 : vector<16xf32>
        %get3A_547 = arith.index_cast %scan3A_462 : i32 to index
        %get3A_548 = arith.constant 176 : index
        %get3A_549 = tpu.vector_load %arg8[%get3A_547, %get3A_548] {strides = array<i32>} : memref<40x256xf32, #tpu.memory_space<vmem>>, vector<16xf32>,
        %get3A_550 = arith.index_cast %scan3A_462 : i32 to index
        %get3A_551 = arith.constant 176 : index
        %get3A_552 = tpu.vector_load %arg9[%get3A_550, %get3A_551] {strides = array<i32>} : memref<40x256xf32, #tpu.memory_space<vmem>>, vector<16xf32>,
        %mul3A_553 = arith.mulf %get3A_549, %get3A_552 : vector<16xf32>
        %add3A_554 = arith.addf %add3A_522, %mul3A_553 : vector<16xf32>
        %get3A_555 = arith.index_cast %scan3A_462 : i32 to index
        %get3A_556 = arith.constant 192 : index
        %get3A_557 = tpu.vector_load %arg8[%get3A_555, %get3A_556] {strides = array<i32>} : memref<40x256xf32, #tpu.memory_space<vmem>>, vector<16xf32>,
        %get3A_558 = arith.index_cast %scan3A_462 : i32 to index
        %get3A_559 = arith.constant 192 : index
        %get3A_560 = tpu.vector_load %arg9[%get3A_558, %get3A_559] {strides = array<i32>} : memref<40x256xf32, #tpu.memory_space<vmem>>, vector<16xf32>,
        %mul3A_561 = arith.mulf %get3A_557, %get3A_560 : vector<16xf32>
        %add3A_562 = arith.addf %add3A_530, %mul3A_561 : vector<16xf32>
        %get3A_563 = arith.index_cast %scan3A_462 : i32 to index
        %get3A_564 = arith.constant 208 : index
        %get3A_565 = tpu.vector_load %arg8[%get3A_563, %get3A_564] {strides = array<i32>} : memref<40x256xf32, #tpu.memory_space<vmem>>, vector<16xf32>,
        %get3A_566 = arith.index_cast %scan3A_462 : i32 to index
        %get3A_567 = arith.constant 208 : index
        %get3A_568 = tpu.vector_load %arg9[%get3A_566, %get3A_567] {strides = array<i32>} : memref<40x256xf32, #tpu.memory_space<vmem>>, vector<16xf32>,
        %mul3A_569 = arith.mulf %get3A_565, %get3A_568 : vector<16xf32>
        %add3A_570 = arith.addf %add3A_538, %mul3A_569 : vector<16xf32>
        %get3A_571 = arith.index_cast %scan3A_462 : i32 to index
        %get3A_572 = arith.constant 224 : index
        %get3A_573 = tpu.vector_load %arg8[%get3A_571, %get3A_572] {strides = array<i32>} : memref<40x256xf32, #tpu.memory_space<vmem>>, vector<16xf32>,
        %get3A_574 = arith.index_cast %scan3A_462 : i32 to index
        %get3A_575 = arith.constant 224 : index
        %get3A_576 = tpu.vector_load %arg9[%get3A_574, %get3A_575] {strides = array<i32>} : memref<40x256xf32, #tpu.memory_space<vmem>>, vector<16xf32>,
        %mul3A_577 = arith.mulf %get3A_573, %get3A_576 : vector<16xf32>
        %add3A_578 = arith.addf %add3A_546, %mul3A_577 : vector<16xf32>
        %get3A_579 = arith.index_cast %scan3A_462 : i32 to index
        %get3A_580 = arith.constant 240 : index
        %get3A_581 = tpu.vector_load %arg8[%get3A_579, %get3A_580] {strides = array<i32>} : memref<40x256xf32, #tpu.memory_space<vmem>>, vector<16xf32>,
        %get3A_582 = arith.index_cast %scan3A_462 : i32 to index
        %get3A_583 = arith.constant 240 : index
        %get3A_584 = tpu.vector_load %arg9[%get3A_582, %get3A_583] {strides = array<i32>} : memref<40x256xf32, #tpu.memory_space<vmem>>, vector<16xf32>,
        %mul3A_585 = arith.mulf %get3A_581, %get3A_584 : vector<16xf32>
        %add3A_586 = arith.addf %add3A_554, %mul3A_585 : vector<16xf32>
        %add3A_587 = arith.addf %add3A_562, %add3A_570 : vector<16xf32>
        %add3A_588 = arith.addf %add3A_578, %add3A_586 : vector<16xf32>
        %add3A_589 = arith.addf %add3A_587, %add3A_588 : vector<16xf32>
        %broadcast_in_dim3A_590 = arith.constant true
        %broadcast_in_dim3A_591 = vector.broadcast %broadcast_in_dim3A_590 : i1 to vector<16xi1>
        %masked_cumsum3A_592 = tpu.scan <sum>, %add3A_589 masked %broadcast_in_dim3A_591 : vector<16xf32>, vector<16xi1> -> vector<16xf32>
        %mul3A_593 = arith.constant 40 : i32
        %mul3A_594 = arith.muli %mul3A_21, %mul3A_593 : i32
        %add3A_595 = arith.addi %mul3A_594, %scan3A_462 : i32
        %broadcast_in_dim3A_596 = vector.broadcast %add3A_595 : i32 to vector<16xi32>
        tpu.vector_store_idx %arg12[%broadcast_in_dim3A_596], %masked_cumsum3A_592 masked %eq3A_4 : memref<5000xf32, #tpu.memory_space<vmem>>[vector<16xi32>], vector<16xf32>, vector<16xi1>
      }
      %scan3A_44 = arith.constant 40 : i32
      %add3A_45 = arith.constant 2 : i32
      %add3A_46 = arith.addi %mul3A_21, %add3A_45 : i32
      %lt3A_47 = arith.constant 125 : i32
      %lt3A_48 = arith.cmpi slt, %add3A_46, %lt3A_47 : i32
      %convert_element_type3A_49 = arith.extui %lt3A_48 : i1 to i32
      %cond3A_50 = arith.constant 0 : i32
      %cond3A_51 = arith.cmpi ne, %convert_element_type3A_49, %cond3A_50 : i32
      scf.if %cond3A_51 {
        %add3A_57 = arith.constant 2 : i32
        %add3A_58 = arith.addi %mul3A_21, %add3A_57 : i32
        %mul3A_59 = arith.constant 40 : i32
        %mul3A_60 = arith.muli %add3A_58, %mul3A_59 : i32
        %dma_start3A_61 = tpu.memref_slice %arg6[%mul3A_60] : memref<5000xi32, #tpu.memory_space<vmem>> -> memref<40xi32, #tpu.memory_space<vmem>>
        %dma_start3A_62 = arith.constant 0 : i32
        %dma_start3A_63 = arith.constant 0 : i32
        %dma_start3A_64 = tpu.memref_slice %arg2[%dma_start3A_62, %dma_start3A_63] : memref<10000x256xf32, #tpu.memory_space<hbm>> -> memref<10000x256xf32, #tpu.memory_space<hbm>>
        tpu.enqueue_indirect_dma source(%dma_start3A_64 : memref<10000x256xf32, #tpu.memory_space<hbm>>) target(%arg8 : memref<40x256xf32, #tpu.memory_space<vmem>>) offsets(%dma_start3A_61 : memref<40xi32, #tpu.memory_space<vmem>>) semaphore(%arg13 : memref<!tpu.dma_semaphore, #tpu.memory_space<semaphore_mem>>)
        %dma_start3A_65 = tpu.memref_slice %arg7[%mul3A_60] : memref<5000xi32, #tpu.memory_space<vmem>> -> memref<40xi32, #tpu.memory_space<vmem>>
        %dma_start3A_66 = arith.constant 0 : i32
        %dma_start3A_67 = arith.constant 0 : i32
        %dma_start3A_68 = tpu.memref_slice %arg2[%dma_start3A_66, %dma_start3A_67] : memref<10000x256xf32, #tpu.memory_space<hbm>> -> memref<10000x256xf32, #tpu.memory_space<hbm>>
        tpu.enqueue_indirect_dma source(%dma_start3A_68 : memref<10000x256xf32, #tpu.memory_space<hbm>>) target(%arg9 : memref<40x256xf32, #tpu.memory_space<vmem>>) offsets(%dma_start3A_65 : memref<40xi32, #tpu.memory_space<vmem>>) semaphore(%arg13 : memref<!tpu.dma_semaphore, #tpu.memory_space<semaphore_mem>>)
      } else {
      }
      %lt3A_52 = arith.constant 125 : i32
      %lt3A_53 = arith.cmpi slt, %add3A_25, %lt3A_52 : i32
      %convert_element_type3A_54 = arith.extui %lt3A_53 : i1 to i32
      %cond3A_55 = arith.constant 0 : i32
      %cond3A_56 = arith.cmpi ne, %convert_element_type3A_54, %cond3A_55 : i32
      scf.if %cond3A_56 {
        %dma_wait3A_57 = arith.constant 0 : i32
        %dma_wait3A_58 = arith.constant 0 : i32
        %dma_wait3A_59 = tpu.memref_slice %arg2[%dma_wait3A_57, %dma_wait3A_58] : memref<10000x256xf32, #tpu.memory_space<hbm>> -> memref<40x256xf32, #tpu.memory_space<hbm>>
        %dma_wait3A_60 = arith.constant 0 : i32
        %dma_wait3A_61 = arith.constant 0 : i32
        %dma_wait3A_62 = tpu.memref_slice %arg2[%dma_wait3A_60, %dma_wait3A_61] : memref<10000x256xf32, #tpu.memory_space<hbm>> -> memref<40x256xf32, #tpu.memory_space<hbm>>
        tpu.wait_dma2 semaphore(%arg14 : memref<!tpu.dma_semaphore, #tpu.memory_space<semaphore_mem>>) src(%dma_wait3A_62 : memref<40x256xf32, #tpu.memory_space<hbm>>) dst(%arg10 : memref<40x256xf32, #tpu.memory_space<vmem>>)
        %dma_wait3A_63 = arith.constant 0 : i32
        %dma_wait3A_64 = arith.constant 0 : i32
        %dma_wait3A_65 = tpu.memref_slice %arg2[%dma_wait3A_63, %dma_wait3A_64] : memref<10000x256xf32, #tpu.memory_space<hbm>> -> memref<40x256xf32, #tpu.memory_space<hbm>>
        %dma_wait3A_66 = arith.constant 0 : i32
        %dma_wait3A_67 = arith.constant 0 : i32
        %dma_wait3A_68 = tpu.memref_slice %arg2[%dma_wait3A_66, %dma_wait3A_67] : memref<10000x256xf32, #tpu.memory_space<hbm>> -> memref<40x256xf32, #tpu.memory_space<hbm>>
        tpu.wait_dma2 semaphore(%arg14 : memref<!tpu.dma_semaphore, #tpu.memory_space<semaphore_mem>>) src(%dma_wait3A_68 : memref<40x256xf32, #tpu.memory_space<hbm>>) dst(%arg11 : memref<40x256xf32, #tpu.memory_space<vmem>>)
        %scan3A_69 = arith.constant 0 : i32
        %scan3A_70 = arith.constant 0 : i32
        %scan3A_71 = arith.constant 40 : i32
        %scan3A_72 = arith.addi %scan3A_70, %scan3A_71 : i32
        %scan3A_73 = arith.constant 4 : i32
        scf.for %scan3A_75 = %scan3A_70 to %scan3A_72 step %scan3A_73  : i32 {
          %get3A = arith.index_cast %scan3A_75 : i32 to index
          %get3A_76 = arith.constant 0 : index
          %get3A_77 = tpu.vector_load %arg10[%get3A, %get3A_76] {strides = array<i32>} : memref<40x256xf32, #tpu.memory_space<vmem>>, vector<16xf32>,
          %get3A_78 = arith.index_cast %scan3A_75 : i32 to index
          %get3A_79 = arith.constant 0 : index
          %get3A_80 = tpu.vector_load %arg11[%get3A_78, %get3A_79] {strides = array<i32>} : memref<40x256xf32, #tpu.memory_space<vmem>>, vector<16xf32>,
          %mul3A_81 = arith.mulf %get3A_77, %get3A_80 : vector<16xf32>
          %get3A_82 = arith.index_cast %scan3A_75 : i32 to index
          %get3A_83 = arith.constant 16 : index
          %get3A_84 = tpu.vector_load %arg10[%get3A_82, %get3A_83] {strides = array<i32>} : memref<40x256xf32, #tpu.memory_space<vmem>>, vector<16xf32>,
          %get3A_85 = arith.index_cast %scan3A_75 : i32 to index
          %get3A_86 = arith.constant 16 : index
          %get3A_87 = tpu.vector_load %arg11[%get3A_85, %get3A_86] {strides = array<i32>} : memref<40x256xf32, #tpu.memory_space<vmem>>, vector<16xf32>,
          %mul3A_88 = arith.mulf %get3A_84, %get3A_87 : vector<16xf32>
          %get3A_89 = arith.index_cast %scan3A_75 : i32 to index
          %get3A_90 = arith.constant 32 : index
          %get3A_91 = tpu.vector_load %arg10[%get3A_89, %get3A_90] {strides = array<i32>} : memref<40x256xf32, #tpu.memory_space<vmem>>, vector<16xf32>,
          %get3A_92 = arith.index_cast %scan3A_75 : i32 to index
          %get3A_93 = arith.constant 32 : index
          %get3A_94 = tpu.vector_load %arg11[%get3A_92, %get3A_93] {strides = array<i32>} : memref<40x256xf32, #tpu.memory_space<vmem>>, vector<16xf32>,
          %mul3A_95 = arith.mulf %get3A_91, %get3A_94 : vector<16xf32>
          %get3A_96 = arith.index_cast %scan3A_75 : i32 to index
          %get3A_97 = arith.constant 48 : index
          %get3A_98 = tpu.vector_load %arg10[%get3A_96, %get3A_97] {strides = array<i32>} : memref<40x256xf32, #tpu.memory_space<vmem>>, vector<16xf32>,
          %get3A_99 = arith.index_cast %scan3A_75 : i32 to index
          %get3A_100 = arith.constant 48 : index
          %get3A_101 = tpu.vector_load %arg11[%get3A_99, %get3A_100] {strides = array<i32>} : memref<40x256xf32, #tpu.memory_space<vmem>>, vector<16xf32>,
          %mul3A_102 = arith.mulf %get3A_98, %get3A_101 : vector<16xf32>
          %get3A_103 = arith.index_cast %scan3A_75 : i32 to index
          %get3A_104 = arith.constant 64 : index
          %get3A_105 = tpu.vector_load %arg10[%get3A_103, %get3A_104] {strides = array<i32>} : memref<40x256xf32, #tpu.memory_space<vmem>>, vector<16xf32>,
          %get3A_106 = arith.index_cast %scan3A_75 : i32 to index
          %get3A_107 = arith.constant 64 : index
          %get3A_108 = tpu.vector_load %arg11[%get3A_106, %get3A_107] {strides = array<i32>} : memref<40x256xf32, #tpu.memory_space<vmem>>, vector<16xf32>,
          %mul3A_109 = arith.mulf %get3A_105, %get3A_108 : vector<16xf32>
          %add3A_110 = arith.addf %mul3A_81, %mul3A_109 : vector<16xf32>
          %get3A_111 = arith.index_cast %scan3A_75 : i32 to index
          %get3A_112 = arith.constant 80 : index
          %get3A_113 = tpu.vector_load %arg10[%get3A_111, %get3A_112] {strides = array<i32>} : memref<40x256xf32, #tpu.memory_space<vmem>>, vector<16xf32>,
          %get3A_114 = arith.index_cast %scan3A_75 : i32 to index
          %get3A_115 = arith.constant 80 : index
          %get3A_116 = tpu.vector_load %arg11[%get3A_114, %get3A_115] {strides = array<i32>} : memref<40x256xf32, #tpu.memory_space<vmem>>, vector<16xf32>,
          %mul3A_117 = arith.mulf %get3A_113, %get3A_116 : vector<16xf32>
          %add3A_118 = arith.addf %mul3A_88, %mul3A_117 : vector<16xf32>
          %get3A_119 = arith.index_cast %scan3A_75 : i32 to index
          %get3A_120 = arith.constant 96 : index
          %get3A_121 = tpu.vector_load %arg10[%get3A_119, %get3A_120] {strides = array<i32>} : memref<40x256xf32, #tpu.memory_space<vmem>>, vector<16xf32>,
          %get3A_122 = arith.index_cast %scan3A_75 : i32 to index
          %get3A_123 = arith.constant 96 : index
          %get3A_124 = tpu.vector_load %arg11[%get3A_122, %get3A_123] {strides = array<i32>} : memref<40x256xf32, #tpu.memory_space<vmem>>, vector<16xf32>,
          %mul3A_125 = arith.mulf %get3A_121, %get3A_124 : vector<16xf32>
          %add3A_126 = arith.addf %mul3A_95, %mul3A_125 : vector<16xf32>
          %get3A_127 = arith.index_cast %scan3A_75 : i32 to index
          %get3A_128 = arith.constant 112 : index
          %get3A_129 = tpu.vector_load %arg10[%get3A_127, %get3A_128] {strides = array<i32>} : memref<40x256xf32, #tpu.memory_space<vmem>>, vector<16xf32>,
          %get3A_130 = arith.index_cast %scan3A_75 : i32 to index
          %get3A_131 = arith.constant 112 : index
          %get3A_132 = tpu.vector_load %arg11[%get3A_130, %get3A_131] {strides = array<i32>} : memref<40x256xf32, #tpu.memory_space<vmem>>, vector<16xf32>,
          %mul3A_133 = arith.mulf %get3A_129, %get3A_132 : vector<16xf32>
          %add3A_134 = arith.addf %mul3A_102, %mul3A_133 : vector<16xf32>
          %get3A_135 = arith.index_cast %scan3A_75 : i32 to index
          %get3A_136 = arith.constant 128 : index
          %get3A_137 = tpu.vector_load %arg10[%get3A_135, %get3A_136] {strides = array<i32>} : memref<40x256xf32, #tpu.memory_space<vmem>>, vector<16xf32>,
          %get3A_138 = arith.index_cast %scan3A_75 : i32 to index
          %get3A_139 = arith.constant 128 : index
          %get3A_140 = tpu.vector_load %arg11[%get3A_138, %get3A_139] {strides = array<i32>} : memref<40x256xf32, #tpu.memory_space<vmem>>, vector<16xf32>,
          %mul3A_141 = arith.mulf %get3A_137, %get3A_140 : vector<16xf32>
          %add3A_142 = arith.addf %add3A_110, %mul3A_141 : vector<16xf32>
          %get3A_143 = arith.index_cast %scan3A_75 : i32 to index
          %get3A_144 = arith.constant 144 : index
          %get3A_145 = tpu.vector_load %arg10[%get3A_143, %get3A_144] {strides = array<i32>} : memref<40x256xf32, #tpu.memory_space<vmem>>, vector<16xf32>,
          %get3A_146 = arith.index_cast %scan3A_75 : i32 to index
          %get3A_147 = arith.constant 144 : index
          %get3A_148 = tpu.vector_load %arg11[%get3A_146, %get3A_147] {strides = array<i32>} : memref<40x256xf32, #tpu.memory_space<vmem>>, vector<16xf32>,
          %mul3A_149 = arith.mulf %get3A_145, %get3A_148 : vector<16xf32>
          %add3A_150 = arith.addf %add3A_118, %mul3A_149 : vector<16xf32>
          %get3A_151 = arith.index_cast %scan3A_75 : i32 to index
          %get3A_152 = arith.constant 160 : index
          %get3A_153 = tpu.vector_load %arg10[%get3A_151, %get3A_152] {strides = array<i32>} : memref<40x256xf32, #tpu.memory_space<vmem>>, vector<16xf32>,
          %get3A_154 = arith.index_cast %scan3A_75 : i32 to index
          %get3A_155 = arith.constant 160 : index
          %get3A_156 = tpu.vector_load %arg11[%get3A_154, %get3A_155] {strides = array<i32>} : memref<40x256xf32, #tpu.memory_space<vmem>>, vector<16xf32>,
          %mul3A_157 = arith.mulf %get3A_153, %get3A_156 : vector<16xf32>
          %add3A_158 = arith.addf %add3A_126, %mul3A_157 : vector<16xf32>
          %get3A_159 = arith.index_cast %scan3A_75 : i32 to index
          %get3A_160 = arith.constant 176 : index
          %get3A_161 = tpu.vector_load %arg10[%get3A_159, %get3A_160] {strides = array<i32>} : memref<40x256xf32, #tpu.memory_space<vmem>>, vector<16xf32>,
          %get3A_162 = arith.index_cast %scan3A_75 : i32 to index
          %get3A_163 = arith.constant 176 : index
          %get3A_164 = tpu.vector_load %arg11[%get3A_162, %get3A_163] {strides = array<i32>} : memref<40x256xf32, #tpu.memory_space<vmem>>, vector<16xf32>,
          %mul3A_165 = arith.mulf %get3A_161, %get3A_164 : vector<16xf32>
          %add3A_166 = arith.addf %add3A_134, %mul3A_165 : vector<16xf32>
          %get3A_167 = arith.index_cast %scan3A_75 : i32 to index
          %get3A_168 = arith.constant 192 : index
          %get3A_169 = tpu.vector_load %arg10[%get3A_167, %get3A_168] {strides = array<i32>} : memref<40x256xf32, #tpu.memory_space<vmem>>, vector<16xf32>,
          %get3A_170 = arith.index_cast %scan3A_75 : i32 to index
          %get3A_171 = arith.constant 192 : index
          %get3A_172 = tpu.vector_load %arg11[%get3A_170, %get3A_171] {strides = array<i32>} : memref<40x256xf32, #tpu.memory_space<vmem>>, vector<16xf32>,
          %mul3A_173 = arith.mulf %get3A_169, %get3A_172 : vector<16xf32>
          %add3A_174 = arith.addf %add3A_142, %mul3A_173 : vector<16xf32>
          %get3A_175 = arith.index_cast %scan3A_75 : i32 to index
          %get3A_176 = arith.constant 208 : index
          %get3A_177 = tpu.vector_load %arg10[%get3A_175, %get3A_176] {strides = array<i32>} : memref<40x256xf32, #tpu.memory_space<vmem>>, vector<16xf32>,
          %get3A_178 = arith.index_cast %scan3A_75 : i32 to index
          %get3A_179 = arith.constant 208 : index
          %get3A_180 = tpu.vector_load %arg11[%get3A_178, %get3A_179] {strides = array<i32>} : memref<40x256xf32, #tpu.memory_space<vmem>>, vector<16xf32>,
          %mul3A_181 = arith.mulf %get3A_177, %get3A_180 : vector<16xf32>
          %add3A_182 = arith.addf %add3A_150, %mul3A_181 : vector<16xf32>
          %get3A_183 = arith.index_cast %scan3A_75 : i32 to index
          %get3A_184 = arith.constant 224 : index
          %get3A_185 = tpu.vector_load %arg10[%get3A_183, %get3A_184] {strides = array<i32>} : memref<40x256xf32, #tpu.memory_space<vmem>>, vector<16xf32>,
          %get3A_186 = arith.index_cast %scan3A_75 : i32 to index
          %get3A_187 = arith.constant 224 : index
          %get3A_188 = tpu.vector_load %arg11[%get3A_186, %get3A_187] {strides = array<i32>} : memref<40x256xf32, #tpu.memory_space<vmem>>, vector<16xf32>,
          %mul3A_189 = arith.mulf %get3A_185, %get3A_188 : vector<16xf32>
          %add3A_190 = arith.addf %add3A_158, %mul3A_189 : vector<16xf32>
          %get3A_191 = arith.index_cast %scan3A_75 : i32 to index
          %get3A_192 = arith.constant 240 : index
          %get3A_193 = tpu.vector_load %arg10[%get3A_191, %get3A_192] {strides = array<i32>} : memref<40x256xf32, #tpu.memory_space<vmem>>, vector<16xf32>,
          %get3A_194 = arith.index_cast %scan3A_75 : i32 to index
          %get3A_195 = arith.constant 240 : index
          %get3A_196 = tpu.vector_load %arg11[%get3A_194, %get3A_195] {strides = array<i32>} : memref<40x256xf32, #tpu.memory_space<vmem>>, vector<16xf32>,
          %mul3A_197 = arith.mulf %get3A_193, %get3A_196 : vector<16xf32>
          %add3A_198 = arith.addf %add3A_166, %mul3A_197 : vector<16xf32>
          %add3A_199 = arith.addf %add3A_174, %add3A_182 : vector<16xf32>
          %add3A_200 = arith.addf %add3A_190, %add3A_198 : vector<16xf32>
          %add3A_201 = arith.addf %add3A_199, %add3A_200 : vector<16xf32>
          %broadcast_in_dim3A = arith.constant true
          %broadcast_in_dim3A_202 = vector.broadcast %broadcast_in_dim3A : i1 to vector<16xi1>
          %masked_cumsum3A = tpu.scan <sum>, %add3A_201 masked %broadcast_in_dim3A_202 : vector<16xf32>, vector<16xi1> -> vector<16xf32>
          %mul3A_203 = arith.constant 40 : i32
          %mul3A_204 = arith.muli %add3A_25, %mul3A_203 : i32
          %add3A_205 = arith.addi %mul3A_204, %scan3A_75 : i32
          %broadcast_in_dim3A_206 = vector.broadcast %add3A_205 : i32 to vector<16xi32>
          tpu.vector_store_idx %arg12[%broadcast_in_dim3A_206], %masked_cumsum3A masked %eq3A_4 : memref<5000xf32, #tpu.memory_space<vmem>>[vector<16xi32>], vector<16xf32>, vector<16xi1>
          %scan3A_207 = arith.constant 1 : i32
          %scan3A_208 = arith.addi %scan3A_75, %scan3A_207 : i32
          %get3A_209 = arith.index_cast %scan3A_208 : i32 to index
          %get3A_210 = arith.constant 0 : index
          %get3A_211 = tpu.vector_load %arg10[%get3A_209, %get3A_210] {strides = array<i32>} : memref<40x256xf32, #tpu.memory_space<vmem>>, vector<16xf32>,
          %get3A_212 = arith.index_cast %scan3A_208 : i32 to index
          %get3A_213 = arith.constant 0 : index
          %get3A_214 = tpu.vector_load %arg11[%get3A_212, %get3A_213] {strides = array<i32>} : memref<40x256xf32, #tpu.memory_space<vmem>>, vector<16xf32>,
          %mul3A_215 = arith.mulf %get3A_211, %get3A_214 : vector<16xf32>
          %get3A_216 = arith.index_cast %scan3A_208 : i32 to index
          %get3A_217 = arith.constant 16 : index
          %get3A_218 = tpu.vector_load %arg10[%get3A_216, %get3A_217] {strides = array<i32>} : memref<40x256xf32, #tpu.memory_space<vmem>>, vector<16xf32>,
          %get3A_219 = arith.index_cast %scan3A_208 : i32 to index
          %get3A_220 = arith.constant 16 : index
          %get3A_221 = tpu.vector_load %arg11[%get3A_219, %get3A_220] {strides = array<i32>} : memref<40x256xf32, #tpu.memory_space<vmem>>, vector<16xf32>,
          %mul3A_222 = arith.mulf %get3A_218, %get3A_221 : vector<16xf32>
          %get3A_223 = arith.index_cast %scan3A_208 : i32 to index
          %get3A_224 = arith.constant 32 : index
          %get3A_225 = tpu.vector_load %arg10[%get3A_223, %get3A_224] {strides = array<i32>} : memref<40x256xf32, #tpu.memory_space<vmem>>, vector<16xf32>,
          %get3A_226 = arith.index_cast %scan3A_208 : i32 to index
          %get3A_227 = arith.constant 32 : index
          %get3A_228 = tpu.vector_load %arg11[%get3A_226, %get3A_227] {strides = array<i32>} : memref<40x256xf32, #tpu.memory_space<vmem>>, vector<16xf32>,
          %mul3A_229 = arith.mulf %get3A_225, %get3A_228 : vector<16xf32>
          %get3A_230 = arith.index_cast %scan3A_208 : i32 to index
          %get3A_231 = arith.constant 48 : index
          %get3A_232 = tpu.vector_load %arg10[%get3A_230, %get3A_231] {strides = array<i32>} : memref<40x256xf32, #tpu.memory_space<vmem>>, vector<16xf32>,
          %get3A_233 = arith.index_cast %scan3A_208 : i32 to index
          %get3A_234 = arith.constant 48 : index
          %get3A_235 = tpu.vector_load %arg11[%get3A_233, %get3A_234] {strides = array<i32>} : memref<40x256xf32, #tpu.memory_space<vmem>>, vector<16xf32>,
          %mul3A_236 = arith.mulf %get3A_232, %get3A_235 : vector<16xf32>
          %get3A_237 = arith.index_cast %scan3A_208 : i32 to index
          %get3A_238 = arith.constant 64 : index
          %get3A_239 = tpu.vector_load %arg10[%get3A_237, %get3A_238] {strides = array<i32>} : memref<40x256xf32, #tpu.memory_space<vmem>>, vector<16xf32>,
          %get3A_240 = arith.index_cast %scan3A_208 : i32 to index
          %get3A_241 = arith.constant 64 : index
          %get3A_242 = tpu.vector_load %arg11[%get3A_240, %get3A_241] {strides = array<i32>} : memref<40x256xf32, #tpu.memory_space<vmem>>, vector<16xf32>,
          %mul3A_243 = arith.mulf %get3A_239, %get3A_242 : vector<16xf32>
          %add3A_244 = arith.addf %mul3A_215, %mul3A_243 : vector<16xf32>
          %get3A_245 = arith.index_cast %scan3A_208 : i32 to index
          %get3A_246 = arith.constant 80 : index
          %get3A_247 = tpu.vector_load %arg10[%get3A_245, %get3A_246] {strides = array<i32>} : memref<40x256xf32, #tpu.memory_space<vmem>>, vector<16xf32>,
          %get3A_248 = arith.index_cast %scan3A_208 : i32 to index
          %get3A_249 = arith.constant 80 : index
          %get3A_250 = tpu.vector_load %arg11[%get3A_248, %get3A_249] {strides = array<i32>} : memref<40x256xf32, #tpu.memory_space<vmem>>, vector<16xf32>,
          %mul3A_251 = arith.mulf %get3A_247, %get3A_250 : vector<16xf32>
          %add3A_252 = arith.addf %mul3A_222, %mul3A_251 : vector<16xf32>
          %get3A_253 = arith.index_cast %scan3A_208 : i32 to index
          %get3A_254 = arith.constant 96 : index
          %get3A_255 = tpu.vector_load %arg10[%get3A_253, %get3A_254] {strides = array<i32>} : memref<40x256xf32, #tpu.memory_space<vmem>>, vector<16xf32>,
          %get3A_256 = arith.index_cast %scan3A_208 : i32 to index
          %get3A_257 = arith.constant 96 : index
          %get3A_258 = tpu.vector_load %arg11[%get3A_256, %get3A_257] {strides = array<i32>} : memref<40x256xf32, #tpu.memory_space<vmem>>, vector<16xf32>,
          %mul3A_259 = arith.mulf %get3A_255, %get3A_258 : vector<16xf32>
          %add3A_260 = arith.addf %mul3A_229, %mul3A_259 : vector<16xf32>
          %get3A_261 = arith.index_cast %scan3A_208 : i32 to index
          %get3A_262 = arith.constant 112 : index
          %get3A_263 = tpu.vector_load %arg10[%get3A_261, %get3A_262] {strides = array<i32>} : memref<40x256xf32, #tpu.memory_space<vmem>>, vector<16xf32>,
          %get3A_264 = arith.index_cast %scan3A_208 : i32 to index
          %get3A_265 = arith.constant 112 : index
          %get3A_266 = tpu.vector_load %arg11[%get3A_264, %get3A_265] {strides = array<i32>} : memref<40x256xf32, #tpu.memory_space<vmem>>, vector<16xf32>,
          %mul3A_267 = arith.mulf %get3A_263, %get3A_266 : vector<16xf32>
          %add3A_268 = arith.addf %mul3A_236, %mul3A_267 : vector<16xf32>
          %get3A_269 = arith.index_cast %scan3A_208 : i32 to index
          %get3A_270 = arith.constant 128 : index
          %get3A_271 = tpu.vector_load %arg10[%get3A_269, %get3A_270] {strides = array<i32>} : memref<40x256xf32, #tpu.memory_space<vmem>>, vector<16xf32>,
          %get3A_272 = arith.index_cast %scan3A_208 : i32 to index
          %get3A_273 = arith.constant 128 : index
          %get3A_274 = tpu.vector_load %arg11[%get3A_272, %get3A_273] {strides = array<i32>} : memref<40x256xf32, #tpu.memory_space<vmem>>, vector<16xf32>,
          %mul3A_275 = arith.mulf %get3A_271, %get3A_274 : vector<16xf32>
          %add3A_276 = arith.addf %add3A_244, %mul3A_275 : vector<16xf32>
          %get3A_277 = arith.index_cast %scan3A_208 : i32 to index
          %get3A_278 = arith.constant 144 : index
          %get3A_279 = tpu.vector_load %arg10[%get3A_277, %get3A_278] {strides = array<i32>} : memref<40x256xf32, #tpu.memory_space<vmem>>, vector<16xf32>,
          %get3A_280 = arith.index_cast %scan3A_208 : i32 to index
          %get3A_281 = arith.constant 144 : index
          %get3A_282 = tpu.vector_load %arg11[%get3A_280, %get3A_281] {strides = array<i32>} : memref<40x256xf32, #tpu.memory_space<vmem>>, vector<16xf32>,
          %mul3A_283 = arith.mulf %get3A_279, %get3A_282 : vector<16xf32>
          %add3A_284 = arith.addf %add3A_252, %mul3A_283 : vector<16xf32>
          %get3A_285 = arith.index_cast %scan3A_208 : i32 to index
          %get3A_286 = arith.constant 160 : index
          %get3A_287 = tpu.vector_load %arg10[%get3A_285, %get3A_286] {strides = array<i32>} : memref<40x256xf32, #tpu.memory_space<vmem>>, vector<16xf32>,
          %get3A_288 = arith.index_cast %scan3A_208 : i32 to index
          %get3A_289 = arith.constant 160 : index
          %get3A_290 = tpu.vector_load %arg11[%get3A_288, %get3A_289] {strides = array<i32>} : memref<40x256xf32, #tpu.memory_space<vmem>>, vector<16xf32>,
          %mul3A_291 = arith.mulf %get3A_287, %get3A_290 : vector<16xf32>
          %add3A_292 = arith.addf %add3A_260, %mul3A_291 : vector<16xf32>
          %get3A_293 = arith.index_cast %scan3A_208 : i32 to index
          %get3A_294 = arith.constant 176 : index
          %get3A_295 = tpu.vector_load %arg10[%get3A_293, %get3A_294] {strides = array<i32>} : memref<40x256xf32, #tpu.memory_space<vmem>>, vector<16xf32>,
          %get3A_296 = arith.index_cast %scan3A_208 : i32 to index
          %get3A_297 = arith.constant 176 : index
          %get3A_298 = tpu.vector_load %arg11[%get3A_296, %get3A_297] {strides = array<i32>} : memref<40x256xf32, #tpu.memory_space<vmem>>, vector<16xf32>,
          %mul3A_299 = arith.mulf %get3A_295, %get3A_298 : vector<16xf32>
          %add3A_300 = arith.addf %add3A_268, %mul3A_299 : vector<16xf32>
          %get3A_301 = arith.index_cast %scan3A_208 : i32 to index
          %get3A_302 = arith.constant 192 : index
          %get3A_303 = tpu.vector_load %arg10[%get3A_301, %get3A_302] {strides = array<i32>} : memref<40x256xf32, #tpu.memory_space<vmem>>, vector<16xf32>,
          %get3A_304 = arith.index_cast %scan3A_208 : i32 to index
          %get3A_305 = arith.constant 192 : index
          %get3A_306 = tpu.vector_load %arg11[%get3A_304, %get3A_305] {strides = array<i32>} : memref<40x256xf32, #tpu.memory_space<vmem>>, vector<16xf32>,
          %mul3A_307 = arith.mulf %get3A_303, %get3A_306 : vector<16xf32>
          %add3A_308 = arith.addf %add3A_276, %mul3A_307 : vector<16xf32>
          %get3A_309 = arith.index_cast %scan3A_208 : i32 to index
          %get3A_310 = arith.constant 208 : index
          %get3A_311 = tpu.vector_load %arg10[%get3A_309, %get3A_310] {strides = array<i32>} : memref<40x256xf32, #tpu.memory_space<vmem>>, vector<16xf32>,
          %get3A_312 = arith.index_cast %scan3A_208 : i32 to index
          %get3A_313 = arith.constant 208 : index
          %get3A_314 = tpu.vector_load %arg11[%get3A_312, %get3A_313] {strides = array<i32>} : memref<40x256xf32, #tpu.memory_space<vmem>>, vector<16xf32>,
          %mul3A_315 = arith.mulf %get3A_311, %get3A_314 : vector<16xf32>
          %add3A_316 = arith.addf %add3A_284, %mul3A_315 : vector<16xf32>
          %get3A_317 = arith.index_cast %scan3A_208 : i32 to index
          %get3A_318 = arith.constant 224 : index
          %get3A_319 = tpu.vector_load %arg10[%get3A_317, %get3A_318] {strides = array<i32>} : memref<40x256xf32, #tpu.memory_space<vmem>>, vector<16xf32>,
          %get3A_320 = arith.index_cast %scan3A_208 : i32 to index
          %get3A_321 = arith.constant 224 : index
          %get3A_322 = tpu.vector_load %arg11[%get3A_320, %get3A_321] {strides = array<i32>} : memref<40x256xf32, #tpu.memory_space<vmem>>, vector<16xf32>,
          %mul3A_323 = arith.mulf %get3A_319, %get3A_322 : vector<16xf32>
          %add3A_324 = arith.addf %add3A_292, %mul3A_323 : vector<16xf32>
          %get3A_325 = arith.index_cast %scan3A_208 : i32 to index
          %get3A_326 = arith.constant 240 : index
          %get3A_327 = tpu.vector_load %arg10[%get3A_325, %get3A_326] {strides = array<i32>} : memref<40x256xf32, #tpu.memory_space<vmem>>, vector<16xf32>,
          %get3A_328 = arith.index_cast %scan3A_208 : i32 to index
          %get3A_329 = arith.constant 240 : index
          %get3A_330 = tpu.vector_load %arg11[%get3A_328, %get3A_329] {strides = array<i32>} : memref<40x256xf32, #tpu.memory_space<vmem>>, vector<16xf32>,
          %mul3A_331 = arith.mulf %get3A_327, %get3A_330 : vector<16xf32>
          %add3A_332 = arith.addf %add3A_300, %mul3A_331 : vector<16xf32>
          %add3A_333 = arith.addf %add3A_308, %add3A_316 : vector<16xf32>
          %add3A_334 = arith.addf %add3A_324, %add3A_332 : vector<16xf32>
          %add3A_335 = arith.addf %add3A_333, %add3A_334 : vector<16xf32>
          %broadcast_in_dim3A_336 = arith.constant true
          %broadcast_in_dim3A_337 = vector.broadcast %broadcast_in_dim3A_336 : i1 to vector<16xi1>
          %masked_cumsum3A_338 = tpu.scan <sum>, %add3A_335 masked %broadcast_in_dim3A_337 : vector<16xf32>, vector<16xi1> -> vector<16xf32>
          %mul3A_339 = arith.constant 40 : i32
          %mul3A_340 = arith.muli %add3A_25, %mul3A_339 : i32
          %add3A_341 = arith.addi %mul3A_340, %scan3A_208 : i32
          %broadcast_in_dim3A_342 = vector.broadcast %add3A_341 : i32 to vector<16xi32>
          tpu.vector_store_idx %arg12[%broadcast_in_dim3A_342], %masked_cumsum3A_338 masked %eq3A_4 : memref<5000xf32, #tpu.memory_space<vmem>>[vector<16xi32>], vector<16xf32>, vector<16xi1>
          %scan3A_343 = arith.constant 2 : i32
          %scan3A_344 = arith.addi %scan3A_75, %scan3A_343 : i32
          %get3A_345 = arith.index_cast %scan3A_344 : i32 to index
          %get3A_346 = arith.constant 0 : index
          %get3A_347 = tpu.vector_load %arg10[%get3A_345, %get3A_346] {strides = array<i32>} : memref<40x256xf32, #tpu.memory_space<vmem>>, vector<16xf32>,
          %get3A_348 = arith.index_cast %scan3A_344 : i32 to index
          %get3A_349 = arith.constant 0 : index
          %get3A_350 = tpu.vector_load %arg11[%get3A_348, %get3A_349] {strides = array<i32>} : memref<40x256xf32, #tpu.memory_space<vmem>>, vector<16xf32>,
          %mul3A_351 = arith.mulf %get3A_347, %get3A_350 : vector<16xf32>
          %get3A_352 = arith.index_cast %scan3A_344 : i32 to index
          %get3A_353 = arith.constant 16 : index
          %get3A_354 = tpu.vector_load %arg10[%get3A_352, %get3A_353] {strides = array<i32>} : memref<40x256xf32, #tpu.memory_space<vmem>>, vector<16xf32>,
          %get3A_355 = arith.index_cast %scan3A_344 : i32 to index
          %get3A_356 = arith.constant 16 : index
          %get3A_357 = tpu.vector_load %arg11[%get3A_355, %get3A_356] {strides = array<i32>} : memref<40x256xf32, #tpu.memory_space<vmem>>, vector<16xf32>,
          %mul3A_358 = arith.mulf %get3A_354, %get3A_357 : vector<16xf32>
          %get3A_359 = arith.index_cast %scan3A_344 : i32 to index
          %get3A_360 = arith.constant 32 : index
          %get3A_361 = tpu.vector_load %arg10[%get3A_359, %get3A_360] {strides = array<i32>} : memref<40x256xf32, #tpu.memory_space<vmem>>, vector<16xf32>,
          %get3A_362 = arith.index_cast %scan3A_344 : i32 to index
          %get3A_363 = arith.constant 32 : index
          %get3A_364 = tpu.vector_load %arg11[%get3A_362, %get3A_363] {strides = array<i32>} : memref<40x256xf32, #tpu.memory_space<vmem>>, vector<16xf32>,
          %mul3A_365 = arith.mulf %get3A_361, %get3A_364 : vector<16xf32>
          %get3A_366 = arith.index_cast %scan3A_344 : i32 to index
          %get3A_367 = arith.constant 48 : index
          %get3A_368 = tpu.vector_load %arg10[%get3A_366, %get3A_367] {strides = array<i32>} : memref<40x256xf32, #tpu.memory_space<vmem>>, vector<16xf32>,
          %get3A_369 = arith.index_cast %scan3A_344 : i32 to index
          %get3A_370 = arith.constant 48 : index
          %get3A_371 = tpu.vector_load %arg11[%get3A_369, %get3A_370] {strides = array<i32>} : memref<40x256xf32, #tpu.memory_space<vmem>>, vector<16xf32>,
          %mul3A_372 = arith.mulf %get3A_368, %get3A_371 : vector<16xf32>
          %get3A_373 = arith.index_cast %scan3A_344 : i32 to index
          %get3A_374 = arith.constant 64 : index
          %get3A_375 = tpu.vector_load %arg10[%get3A_373, %get3A_374] {strides = array<i32>} : memref<40x256xf32, #tpu.memory_space<vmem>>, vector<16xf32>,
          %get3A_376 = arith.index_cast %scan3A_344 : i32 to index
          %get3A_377 = arith.constant 64 : index
          %get3A_378 = tpu.vector_load %arg11[%get3A_376, %get3A_377] {strides = array<i32>} : memref<40x256xf32, #tpu.memory_space<vmem>>, vector<16xf32>,
          %mul3A_379 = arith.mulf %get3A_375, %get3A_378 : vector<16xf32>
          %add3A_380 = arith.addf %mul3A_351, %mul3A_379 : vector<16xf32>
          %get3A_381 = arith.index_cast %scan3A_344 : i32 to index
          %get3A_382 = arith.constant 80 : index
          %get3A_383 = tpu.vector_load %arg10[%get3A_381, %get3A_382] {strides = array<i32>} : memref<40x256xf32, #tpu.memory_space<vmem>>, vector<16xf32>,
          %get3A_384 = arith.index_cast %scan3A_344 : i32 to index
          %get3A_385 = arith.constant 80 : index
          %get3A_386 = tpu.vector_load %arg11[%get3A_384, %get3A_385] {strides = array<i32>} : memref<40x256xf32, #tpu.memory_space<vmem>>, vector<16xf32>,
          %mul3A_387 = arith.mulf %get3A_383, %get3A_386 : vector<16xf32>
          %add3A_388 = arith.addf %mul3A_358, %mul3A_387 : vector<16xf32>
          %get3A_389 = arith.index_cast %scan3A_344 : i32 to index
          %get3A_390 = arith.constant 96 : index
          %get3A_391 = tpu.vector_load %arg10[%get3A_389, %get3A_390] {strides = array<i32>} : memref<40x256xf32, #tpu.memory_space<vmem>>, vector<16xf32>,
          %get3A_392 = arith.index_cast %scan3A_344 : i32 to index
          %get3A_393 = arith.constant 96 : index
          %get3A_394 = tpu.vector_load %arg11[%get3A_392, %get3A_393] {strides = array<i32>} : memref<40x256xf32, #tpu.memory_space<vmem>>, vector<16xf32>,
          %mul3A_395 = arith.mulf %get3A_391, %get3A_394 : vector<16xf32>
          %add3A_396 = arith.addf %mul3A_365, %mul3A_395 : vector<16xf32>
          %get3A_397 = arith.index_cast %scan3A_344 : i32 to index
          %get3A_398 = arith.constant 112 : index
          %get3A_399 = tpu.vector_load %arg10[%get3A_397, %get3A_398] {strides = array<i32>} : memref<40x256xf32, #tpu.memory_space<vmem>>, vector<16xf32>,
          %get3A_400 = arith.index_cast %scan3A_344 : i32 to index
          %get3A_401 = arith.constant 112 : index
          %get3A_402 = tpu.vector_load %arg11[%get3A_400, %get3A_401] {strides = array<i32>} : memref<40x256xf32, #tpu.memory_space<vmem>>, vector<16xf32>,
          %mul3A_403 = arith.mulf %get3A_399, %get3A_402 : vector<16xf32>
          %add3A_404 = arith.addf %mul3A_372, %mul3A_403 : vector<16xf32>
          %get3A_405 = arith.index_cast %scan3A_344 : i32 to index
          %get3A_406 = arith.constant 128 : index
          %get3A_407 = tpu.vector_load %arg10[%get3A_405, %get3A_406] {strides = array<i32>} : memref<40x256xf32, #tpu.memory_space<vmem>>, vector<16xf32>,
          %get3A_408 = arith.index_cast %scan3A_344 : i32 to index
          %get3A_409 = arith.constant 128 : index
          %get3A_410 = tpu.vector_load %arg11[%get3A_408, %get3A_409] {strides = array<i32>} : memref<40x256xf32, #tpu.memory_space<vmem>>, vector<16xf32>,
          %mul3A_411 = arith.mulf %get3A_407, %get3A_410 : vector<16xf32>
          %add3A_412 = arith.addf %add3A_380, %mul3A_411 : vector<16xf32>
          %get3A_413 = arith.index_cast %scan3A_344 : i32 to index
          %get3A_414 = arith.constant 144 : index
          %get3A_415 = tpu.vector_load %arg10[%get3A_413, %get3A_414] {strides = array<i32>} : memref<40x256xf32, #tpu.memory_space<vmem>>, vector<16xf32>,
          %get3A_416 = arith.index_cast %scan3A_344 : i32 to index
          %get3A_417 = arith.constant 144 : index
          %get3A_418 = tpu.vector_load %arg11[%get3A_416, %get3A_417] {strides = array<i32>} : memref<40x256xf32, #tpu.memory_space<vmem>>, vector<16xf32>,
          %mul3A_419 = arith.mulf %get3A_415, %get3A_418 : vector<16xf32>
          %add3A_420 = arith.addf %add3A_388, %mul3A_419 : vector<16xf32>
          %get3A_421 = arith.index_cast %scan3A_344 : i32 to index
          %get3A_422 = arith.constant 160 : index
          %get3A_423 = tpu.vector_load %arg10[%get3A_421, %get3A_422] {strides = array<i32>} : memref<40x256xf32, #tpu.memory_space<vmem>>, vector<16xf32>,
          %get3A_424 = arith.index_cast %scan3A_344 : i32 to index
          %get3A_425 = arith.constant 160 : index
          %get3A_426 = tpu.vector_load %arg11[%get3A_424, %get3A_425] {strides = array<i32>} : memref<40x256xf32, #tpu.memory_space<vmem>>, vector<16xf32>,
          %mul3A_427 = arith.mulf %get3A_423, %get3A_426 : vector<16xf32>
          %add3A_428 = arith.addf %add3A_396, %mul3A_427 : vector<16xf32>
          %get3A_429 = arith.index_cast %scan3A_344 : i32 to index
          %get3A_430 = arith.constant 176 : index
          %get3A_431 = tpu.vector_load %arg10[%get3A_429, %get3A_430] {strides = array<i32>} : memref<40x256xf32, #tpu.memory_space<vmem>>, vector<16xf32>,
          %get3A_432 = arith.index_cast %scan3A_344 : i32 to index
          %get3A_433 = arith.constant 176 : index
          %get3A_434 = tpu.vector_load %arg11[%get3A_432, %get3A_433] {strides = array<i32>} : memref<40x256xf32, #tpu.memory_space<vmem>>, vector<16xf32>,
          %mul3A_435 = arith.mulf %get3A_431, %get3A_434 : vector<16xf32>
          %add3A_436 = arith.addf %add3A_404, %mul3A_435 : vector<16xf32>
          %get3A_437 = arith.index_cast %scan3A_344 : i32 to index
          %get3A_438 = arith.constant 192 : index
          %get3A_439 = tpu.vector_load %arg10[%get3A_437, %get3A_438] {strides = array<i32>} : memref<40x256xf32, #tpu.memory_space<vmem>>, vector<16xf32>,
          %get3A_440 = arith.index_cast %scan3A_344 : i32 to index
          %get3A_441 = arith.constant 192 : index
          %get3A_442 = tpu.vector_load %arg11[%get3A_440, %get3A_441] {strides = array<i32>} : memref<40x256xf32, #tpu.memory_space<vmem>>, vector<16xf32>,
          %mul3A_443 = arith.mulf %get3A_439, %get3A_442 : vector<16xf32>
          %add3A_444 = arith.addf %add3A_412, %mul3A_443 : vector<16xf32>
          %get3A_445 = arith.index_cast %scan3A_344 : i32 to index
          %get3A_446 = arith.constant 208 : index
          %get3A_447 = tpu.vector_load %arg10[%get3A_445, %get3A_446] {strides = array<i32>} : memref<40x256xf32, #tpu.memory_space<vmem>>, vector<16xf32>,
          %get3A_448 = arith.index_cast %scan3A_344 : i32 to index
          %get3A_449 = arith.constant 208 : index
          %get3A_450 = tpu.vector_load %arg11[%get3A_448, %get3A_449] {strides = array<i32>} : memref<40x256xf32, #tpu.memory_space<vmem>>, vector<16xf32>,
          %mul3A_451 = arith.mulf %get3A_447, %get3A_450 : vector<16xf32>
          %add3A_452 = arith.addf %add3A_420, %mul3A_451 : vector<16xf32>
          %get3A_453 = arith.index_cast %scan3A_344 : i32 to index
          %get3A_454 = arith.constant 224 : index
          %get3A_455 = tpu.vector_load %arg10[%get3A_453, %get3A_454] {strides = array<i32>} : memref<40x256xf32, #tpu.memory_space<vmem>>, vector<16xf32>,
          %get3A_456 = arith.index_cast %scan3A_344 : i32 to index
          %get3A_457 = arith.constant 224 : index
          %get3A_458 = tpu.vector_load %arg11[%get3A_456, %get3A_457] {strides = array<i32>} : memref<40x256xf32, #tpu.memory_space<vmem>>, vector<16xf32>,
          %mul3A_459 = arith.mulf %get3A_455, %get3A_458 : vector<16xf32>
          %add3A_460 = arith.addf %add3A_428, %mul3A_459 : vector<16xf32>
          %get3A_461 = arith.index_cast %scan3A_344 : i32 to index
          %get3A_462 = arith.constant 240 : index
          %get3A_463 = tpu.vector_load %arg10[%get3A_461, %get3A_462] {strides = array<i32>} : memref<40x256xf32, #tpu.memory_space<vmem>>, vector<16xf32>,
          %get3A_464 = arith.index_cast %scan3A_344 : i32 to index
          %get3A_465 = arith.constant 240 : index
          %get3A_466 = tpu.vector_load %arg11[%get3A_464, %get3A_465] {strides = array<i32>} : memref<40x256xf32, #tpu.memory_space<vmem>>, vector<16xf32>,
          %mul3A_467 = arith.mulf %get3A_463, %get3A_466 : vector<16xf32>
          %add3A_468 = arith.addf %add3A_436, %mul3A_467 : vector<16xf32>
          %add3A_469 = arith.addf %add3A_444, %add3A_452 : vector<16xf32>
          %add3A_470 = arith.addf %add3A_460, %add3A_468 : vector<16xf32>
          %add3A_471 = arith.addf %add3A_469, %add3A_470 : vector<16xf32>
          %broadcast_in_dim3A_472 = arith.constant true
          %broadcast_in_dim3A_473 = vector.broadcast %broadcast_in_dim3A_472 : i1 to vector<16xi1>
          %masked_cumsum3A_474 = tpu.scan <sum>, %add3A_471 masked %broadcast_in_dim3A_473 : vector<16xf32>, vector<16xi1> -> vector<16xf32>
          %mul3A_475 = arith.constant 40 : i32
          %mul3A_476 = arith.muli %add3A_25, %mul3A_475 : i32
          %add3A_477 = arith.addi %mul3A_476, %scan3A_344 : i32
          %broadcast_in_dim3A_478 = vector.broadcast %add3A_477 : i32 to vector<16xi32>
          tpu.vector_store_idx %arg12[%broadcast_in_dim3A_478], %masked_cumsum3A_474 masked %eq3A_4 : memref<5000xf32, #tpu.memory_space<vmem>>[vector<16xi32>], vector<16xf32>, vector<16xi1>
          %scan3A_479 = arith.constant 3 : i32
          %scan3A_480 = arith.addi %scan3A_75, %scan3A_479 : i32
          %get3A_481 = arith.index_cast %scan3A_480 : i32 to index
          %get3A_482 = arith.constant 0 : index
          %get3A_483 = tpu.vector_load %arg10[%get3A_481, %get3A_482] {strides = array<i32>} : memref<40x256xf32, #tpu.memory_space<vmem>>, vector<16xf32>,
          %get3A_484 = arith.index_cast %scan3A_480 : i32 to index
          %get3A_485 = arith.constant 0 : index
          %get3A_486 = tpu.vector_load %arg11[%get3A_484, %get3A_485] {strides = array<i32>} : memref<40x256xf32, #tpu.memory_space<vmem>>, vector<16xf32>,
          %mul3A_487 = arith.mulf %get3A_483, %get3A_486 : vector<16xf32>
          %get3A_488 = arith.index_cast %scan3A_480 : i32 to index
          %get3A_489 = arith.constant 16 : index
          %get3A_490 = tpu.vector_load %arg10[%get3A_488, %get3A_489] {strides = array<i32>} : memref<40x256xf32, #tpu.memory_space<vmem>>, vector<16xf32>,
          %get3A_491 = arith.index_cast %scan3A_480 : i32 to index
          %get3A_492 = arith.constant 16 : index
          %get3A_493 = tpu.vector_load %arg11[%get3A_491, %get3A_492] {strides = array<i32>} : memref<40x256xf32, #tpu.memory_space<vmem>>, vector<16xf32>,
          %mul3A_494 = arith.mulf %get3A_490, %get3A_493 : vector<16xf32>
          %get3A_495 = arith.index_cast %scan3A_480 : i32 to index
          %get3A_496 = arith.constant 32 : index
          %get3A_497 = tpu.vector_load %arg10[%get3A_495, %get3A_496] {strides = array<i32>} : memref<40x256xf32, #tpu.memory_space<vmem>>, vector<16xf32>,
          %get3A_498 = arith.index_cast %scan3A_480 : i32 to index
          %get3A_499 = arith.constant 32 : index
          %get3A_500 = tpu.vector_load %arg11[%get3A_498, %get3A_499] {strides = array<i32>} : memref<40x256xf32, #tpu.memory_space<vmem>>, vector<16xf32>,
          %mul3A_501 = arith.mulf %get3A_497, %get3A_500 : vector<16xf32>
          %get3A_502 = arith.index_cast %scan3A_480 : i32 to index
          %get3A_503 = arith.constant 48 : index
          %get3A_504 = tpu.vector_load %arg10[%get3A_502, %get3A_503] {strides = array<i32>} : memref<40x256xf32, #tpu.memory_space<vmem>>, vector<16xf32>,
          %get3A_505 = arith.index_cast %scan3A_480 : i32 to index
          %get3A_506 = arith.constant 48 : index
          %get3A_507 = tpu.vector_load %arg11[%get3A_505, %get3A_506] {strides = array<i32>} : memref<40x256xf32, #tpu.memory_space<vmem>>, vector<16xf32>,
          %mul3A_508 = arith.mulf %get3A_504, %get3A_507 : vector<16xf32>
          %get3A_509 = arith.index_cast %scan3A_480 : i32 to index
          %get3A_510 = arith.constant 64 : index
          %get3A_511 = tpu.vector_load %arg10[%get3A_509, %get3A_510] {strides = array<i32>} : memref<40x256xf32, #tpu.memory_space<vmem>>, vector<16xf32>,
          %get3A_512 = arith.index_cast %scan3A_480 : i32 to index
          %get3A_513 = arith.constant 64 : index
          %get3A_514 = tpu.vector_load %arg11[%get3A_512, %get3A_513] {strides = array<i32>} : memref<40x256xf32, #tpu.memory_space<vmem>>, vector<16xf32>,
          %mul3A_515 = arith.mulf %get3A_511, %get3A_514 : vector<16xf32>
          %add3A_516 = arith.addf %mul3A_487, %mul3A_515 : vector<16xf32>
          %get3A_517 = arith.index_cast %scan3A_480 : i32 to index
          %get3A_518 = arith.constant 80 : index
          %get3A_519 = tpu.vector_load %arg10[%get3A_517, %get3A_518] {strides = array<i32>} : memref<40x256xf32, #tpu.memory_space<vmem>>, vector<16xf32>,
          %get3A_520 = arith.index_cast %scan3A_480 : i32 to index
          %get3A_521 = arith.constant 80 : index
          %get3A_522 = tpu.vector_load %arg11[%get3A_520, %get3A_521] {strides = array<i32>} : memref<40x256xf32, #tpu.memory_space<vmem>>, vector<16xf32>,
          %mul3A_523 = arith.mulf %get3A_519, %get3A_522 : vector<16xf32>
          %add3A_524 = arith.addf %mul3A_494, %mul3A_523 : vector<16xf32>
          %get3A_525 = arith.index_cast %scan3A_480 : i32 to index
          %get3A_526 = arith.constant 96 : index
          %get3A_527 = tpu.vector_load %arg10[%get3A_525, %get3A_526] {strides = array<i32>} : memref<40x256xf32, #tpu.memory_space<vmem>>, vector<16xf32>,
          %get3A_528 = arith.index_cast %scan3A_480 : i32 to index
          %get3A_529 = arith.constant 96 : index
          %get3A_530 = tpu.vector_load %arg11[%get3A_528, %get3A_529] {strides = array<i32>} : memref<40x256xf32, #tpu.memory_space<vmem>>, vector<16xf32>,
          %mul3A_531 = arith.mulf %get3A_527, %get3A_530 : vector<16xf32>
          %add3A_532 = arith.addf %mul3A_501, %mul3A_531 : vector<16xf32>
          %get3A_533 = arith.index_cast %scan3A_480 : i32 to index
          %get3A_534 = arith.constant 112 : index
          %get3A_535 = tpu.vector_load %arg10[%get3A_533, %get3A_534] {strides = array<i32>} : memref<40x256xf32, #tpu.memory_space<vmem>>, vector<16xf32>,
          %get3A_536 = arith.index_cast %scan3A_480 : i32 to index
          %get3A_537 = arith.constant 112 : index
          %get3A_538 = tpu.vector_load %arg11[%get3A_536, %get3A_537] {strides = array<i32>} : memref<40x256xf32, #tpu.memory_space<vmem>>, vector<16xf32>,
          %mul3A_539 = arith.mulf %get3A_535, %get3A_538 : vector<16xf32>
          %add3A_540 = arith.addf %mul3A_508, %mul3A_539 : vector<16xf32>
          %get3A_541 = arith.index_cast %scan3A_480 : i32 to index
          %get3A_542 = arith.constant 128 : index
          %get3A_543 = tpu.vector_load %arg10[%get3A_541, %get3A_542] {strides = array<i32>} : memref<40x256xf32, #tpu.memory_space<vmem>>, vector<16xf32>,
          %get3A_544 = arith.index_cast %scan3A_480 : i32 to index
          %get3A_545 = arith.constant 128 : index
          %get3A_546 = tpu.vector_load %arg11[%get3A_544, %get3A_545] {strides = array<i32>} : memref<40x256xf32, #tpu.memory_space<vmem>>, vector<16xf32>,
          %mul3A_547 = arith.mulf %get3A_543, %get3A_546 : vector<16xf32>
          %add3A_548 = arith.addf %add3A_516, %mul3A_547 : vector<16xf32>
          %get3A_549 = arith.index_cast %scan3A_480 : i32 to index
          %get3A_550 = arith.constant 144 : index
          %get3A_551 = tpu.vector_load %arg10[%get3A_549, %get3A_550] {strides = array<i32>} : memref<40x256xf32, #tpu.memory_space<vmem>>, vector<16xf32>,
          %get3A_552 = arith.index_cast %scan3A_480 : i32 to index
          %get3A_553 = arith.constant 144 : index
          %get3A_554 = tpu.vector_load %arg11[%get3A_552, %get3A_553] {strides = array<i32>} : memref<40x256xf32, #tpu.memory_space<vmem>>, vector<16xf32>,
          %mul3A_555 = arith.mulf %get3A_551, %get3A_554 : vector<16xf32>
          %add3A_556 = arith.addf %add3A_524, %mul3A_555 : vector<16xf32>
          %get3A_557 = arith.index_cast %scan3A_480 : i32 to index
          %get3A_558 = arith.constant 160 : index
          %get3A_559 = tpu.vector_load %arg10[%get3A_557, %get3A_558] {strides = array<i32>} : memref<40x256xf32, #tpu.memory_space<vmem>>, vector<16xf32>,
          %get3A_560 = arith.index_cast %scan3A_480 : i32 to index
          %get3A_561 = arith.constant 160 : index
          %get3A_562 = tpu.vector_load %arg11[%get3A_560, %get3A_561] {strides = array<i32>} : memref<40x256xf32, #tpu.memory_space<vmem>>, vector<16xf32>,
          %mul3A_563 = arith.mulf %get3A_559, %get3A_562 : vector<16xf32>
          %add3A_564 = arith.addf %add3A_532, %mul3A_563 : vector<16xf32>
          %get3A_565 = arith.index_cast %scan3A_480 : i32 to index
          %get3A_566 = arith.constant 176 : index
          %get3A_567 = tpu.vector_load %arg10[%get3A_565, %get3A_566] {strides = array<i32>} : memref<40x256xf32, #tpu.memory_space<vmem>>, vector<16xf32>,
          %get3A_568 = arith.index_cast %scan3A_480 : i32 to index
          %get3A_569 = arith.constant 176 : index
          %get3A_570 = tpu.vector_load %arg11[%get3A_568, %get3A_569] {strides = array<i32>} : memref<40x256xf32, #tpu.memory_space<vmem>>, vector<16xf32>,
          %mul3A_571 = arith.mulf %get3A_567, %get3A_570 : vector<16xf32>
          %add3A_572 = arith.addf %add3A_540, %mul3A_571 : vector<16xf32>
          %get3A_573 = arith.index_cast %scan3A_480 : i32 to index
          %get3A_574 = arith.constant 192 : index
          %get3A_575 = tpu.vector_load %arg10[%get3A_573, %get3A_574] {strides = array<i32>} : memref<40x256xf32, #tpu.memory_space<vmem>>, vector<16xf32>,
          %get3A_576 = arith.index_cast %scan3A_480 : i32 to index
          %get3A_577 = arith.constant 192 : index
          %get3A_578 = tpu.vector_load %arg11[%get3A_576, %get3A_577] {strides = array<i32>} : memref<40x256xf32, #tpu.memory_space<vmem>>, vector<16xf32>,
          %mul3A_579 = arith.mulf %get3A_575, %get3A_578 : vector<16xf32>
          %add3A_580 = arith.addf %add3A_548, %mul3A_579 : vector<16xf32>
          %get3A_581 = arith.index_cast %scan3A_480 : i32 to index
          %get3A_582 = arith.constant 208 : index
          %get3A_583 = tpu.vector_load %arg10[%get3A_581, %get3A_582] {strides = array<i32>} : memref<40x256xf32, #tpu.memory_space<vmem>>, vector<16xf32>,
          %get3A_584 = arith.index_cast %scan3A_480 : i32 to index
          %get3A_585 = arith.constant 208 : index
          %get3A_586 = tpu.vector_load %arg11[%get3A_584, %get3A_585] {strides = array<i32>} : memref<40x256xf32, #tpu.memory_space<vmem>>, vector<16xf32>,
          %mul3A_587 = arith.mulf %get3A_583, %get3A_586 : vector<16xf32>
          %add3A_588 = arith.addf %add3A_556, %mul3A_587 : vector<16xf32>
          %get3A_589 = arith.index_cast %scan3A_480 : i32 to index
          %get3A_590 = arith.constant 224 : index
          %get3A_591 = tpu.vector_load %arg10[%get3A_589, %get3A_590] {strides = array<i32>} : memref<40x256xf32, #tpu.memory_space<vmem>>, vector<16xf32>,
          %get3A_592 = arith.index_cast %scan3A_480 : i32 to index
          %get3A_593 = arith.constant 224 : index
          %get3A_594 = tpu.vector_load %arg11[%get3A_592, %get3A_593] {strides = array<i32>} : memref<40x256xf32, #tpu.memory_space<vmem>>, vector<16xf32>,
          %mul3A_595 = arith.mulf %get3A_591, %get3A_594 : vector<16xf32>
          %add3A_596 = arith.addf %add3A_564, %mul3A_595 : vector<16xf32>
          %get3A_597 = arith.index_cast %scan3A_480 : i32 to index
          %get3A_598 = arith.constant 240 : index
          %get3A_599 = tpu.vector_load %arg10[%get3A_597, %get3A_598] {strides = array<i32>} : memref<40x256xf32, #tpu.memory_space<vmem>>, vector<16xf32>,
          %get3A_600 = arith.index_cast %scan3A_480 : i32 to index
          %get3A_601 = arith.constant 240 : index
          %get3A_602 = tpu.vector_load %arg11[%get3A_600, %get3A_601] {strides = array<i32>} : memref<40x256xf32, #tpu.memory_space<vmem>>, vector<16xf32>,
          %mul3A_603 = arith.mulf %get3A_599, %get3A_602 : vector<16xf32>
          %add3A_604 = arith.addf %add3A_572, %mul3A_603 : vector<16xf32>
          %add3A_605 = arith.addf %add3A_580, %add3A_588 : vector<16xf32>
          %add3A_606 = arith.addf %add3A_596, %add3A_604 : vector<16xf32>
          %add3A_607 = arith.addf %add3A_605, %add3A_606 : vector<16xf32>
          %broadcast_in_dim3A_608 = arith.constant true
          %broadcast_in_dim3A_609 = vector.broadcast %broadcast_in_dim3A_608 : i1 to vector<16xi1>
          %masked_cumsum3A_610 = tpu.scan <sum>, %add3A_607 masked %broadcast_in_dim3A_609 : vector<16xf32>, vector<16xi1> -> vector<16xf32>
          %mul3A_611 = arith.constant 40 : i32
          %mul3A_612 = arith.muli %add3A_25, %mul3A_611 : i32
          %add3A_613 = arith.addi %mul3A_612, %scan3A_480 : i32
          %broadcast_in_dim3A_614 = vector.broadcast %add3A_613 : i32 to vector<16xi32>
          tpu.vector_store_idx %arg12[%broadcast_in_dim3A_614], %masked_cumsum3A_610 masked %eq3A_4 : memref<5000xf32, #tpu.memory_space<vmem>>[vector<16xi32>], vector<16xf32>, vector<16xi1>
        }
        %scan3A_74 = arith.constant 40 : i32
      } else {
      }
    }
    %scan3A_18 = arith.constant 63 : i32
    "tpu.region"() ({
      %run_scoped3A = tpu.sem_alloc : memref<!tpu.dma_semaphore, #tpu.memory_space<semaphore_mem>>
      %dma_start3A_19 = tpu.memref_slice %arg5[%mul3A_2] : memref<160000xf32, #tpu.memory_space<hbm>> -> memref<5000xf32, #tpu.memory_space<hbm>>
      %dma_start3A_20 = tpu.memref_slice %arg5[%mul3A_2] : memref<160000xf32, #tpu.memory_space<hbm>> -> memref<5000xf32, #tpu.memory_space<hbm>>
      tpu.enqueue_dma source(%arg12 : memref<5000xf32, #tpu.memory_space<vmem>>) target(%dma_start3A_20 : memref<5000xf32, #tpu.memory_space<hbm>>) target_semaphore(%run_scoped3A : memref<!tpu.dma_semaphore, #tpu.memory_space<semaphore_mem>>)
      %dma_wait3A = tpu.memref_slice %arg5[%mul3A_2] : memref<160000xf32, #tpu.memory_space<hbm>> -> memref<5000xf32, #tpu.memory_space<hbm>>
      %dma_wait3A_21 = tpu.memref_slice %arg5[%mul3A_2] : memref<160000xf32, #tpu.memory_space<hbm>> -> memref<5000xf32, #tpu.memory_space<hbm>>
      tpu.wait_dma2 semaphore(%run_scoped3A : memref<!tpu.dma_semaphore, #tpu.memory_space<semaphore_mem>>) src(%arg12 : memref<5000xf32, #tpu.memory_space<vmem>>) dst(%dma_wait3A_21 : memref<5000xf32, #tpu.memory_space<hbm>>)
      tpu.yield
    }) : () -> ()
    return
  }
}

</mosaic_0001>

<sc_bundles>
// kernel: _score.3.cloned.1.call-start
scs
__scs_entry_jumppad:
0x0: {  	(pc) =	sbr.rel $0x88, $3  }
0x1: {  	(tag) =	ssettag $0x0;
	lr =	simm.s32 $0x1  }
0x2: {  	[smem:$0x3F9E] =	sst lr;
	_ =	strace $0xD0000000  }
0x3: {  	_ = 	snop  }
0x4: {  	_ = 	snop  }
0x5: {  	_ = 	snop  }
0x6: {  	_ = 	snop  }
0x7: {  	_ = 	snop  }
__scs_overlays_trampoline_lowered:
0x8: {  	[smem:$0x3FAD] =	sst s0  }
0x9: {  	[smem:$0x3FAE] =	sst s1  }
0xa: {  	[smem:$0x3FAF] =	sst s2  }
0xb: {  	[smem:$0x3FB0] =	sst s3  }
0xc: {  	[smem:$0x3FB1] =	sst s4  }
0xd: {  	[smem:$0x3FB2] =	sst s5  }
0xe: {  	[smem:$0x3FB3] =	sst s6  }
0xf: {  	[smem:$0x3FB4] =	sst s7  }
0x10: {  	[smem:$0x3FB5] =	sst s8  }
0x11: {  	[smem:$0x3FB6] =	sst s9;
	s0 =	simm.s32 @!p0 $0x0  }
0x12: {  	s1 =	sld [smem:$0x3F9C];
	s0 =	simm.s32 @p0 $0x1  }
0x13: {  	[smem:$0x3FB7] =	sst s0;
	s0 =	simm.s32 @!p1 $0x0  }
0x14: {  	s2 =	sld [smem:$0x3F9B];
	s0 =	simm.s32 @p1 $0x1  }
0x15: {  	[smem:$0x3FB8] =	sst s0;
	s0 =	simm.s32 @!p2 $0x0  }
0x16: {  	s3 =	sld [smem:$0x3FDB];
	s0 =	simm.s32 @p2 $0x1  }
0x17: {  	s4 =	simm.s32 $0x1BF5;
	[smem:$0x3FBA] =	sst s0  }
0x18: {  	s0 =	sld [smem:$0x3F9D];
	_ =	swait.ge [sflag:s4], $0x0  }
0x19: {  	s7 =	sld [smem:$0x3F9E]  }
0x1a: {  	s8 =	sadd.s32 $0xFFFFE003, lr  }
0x1b: {  	s9 =	sadd.s32 $0xFFFFFEF7, lr;
	s5 =	simm.s32 $0xFFFFFFFF;
	p2 =	slt.u32 s8, $0xFFFFF086  }
0x1c: {  	p1 =	slt.u32 s9, $0xF7A;
	s5 =	simm.s32 @!p2 $0x0  }
0x1d: {  	s5 =	simm.s32 @p1 $0x1;
	p0 =	seq.s32 s7, s2  }
0x1e: {  	s7 =	smul.u32 @!p0 $0xF7A, s2;
	p2 =	seq.s32 @!p0 s5, $0x0  }
0x1f: {  	s9 =	smul.u32 $0xF7A, s1;
	s8 =	simm.s32 @!p0 $0x1BF5;
	p2 =	por !p2, p0  }
0x20: {  	[sflag:s8] =	ssyncset.s32 @!p0 $0xFFFFF086;
	s6 =	sadd.s32 @!p0 s3, s7;
	s7 =	simm.s32 @!p0 $0x108  }
0x21: {  	s3 =	sadd.s32 s3, s9;
	s6 =	sadd.s32 @!p0 $0x88, s6;
	s7 =	simm.s32 @p2 $0x1082  }
0x22: {  	[simem:s7], [sflag:s8] =	dma.local @!p0 [hbm:s6], $0xF7A  }
0x23: {  	s9 =	sor.u32 $0xD0000000, s2;
	s6 =	simm.s32 $0x108;
	_ =	swait.ge @!p0 [sflag:s8], $0x0  }
0x24: {  	s3 =	sadd.s32 $0x88, s3;
	s6 =	simm.s32 @!p1 $0x1082;
	[sflag:s4] =	ssyncset.s32 $0xFFFFF086  }
0x25: {  	[simem:s6], [sflag:s4] =	dma.local [hbm:s3], $0xF7A  }
0x26: {  	[smem:$0x3F9E] =	sst s1;
	(tag) =	ssettag s2;
	_ =	strace s9  }
0x27: {  	s1 =	sld [smem:$0x3FAE]  }
0x28: {  	s2 =	sld [smem:$0x3FAF]  }
0x29: {  	s4 =	sld [smem:$0x3FB1]  }
0x2a: {  	p0 =	seq.s32 s5, $0x0;
	s5 =	sld [smem:$0x3FB2]  }
0x2b: {  	s6 =	sld [smem:$0x3FB3]  }
0x2c: {  	s7 =	sld [smem:$0x3FB4]  }
0x2d: {  	s3 =	simm.s32 $0x108;
	s8 =	sld [smem:$0x3FB5]  }
0x2e: {  	s3 =	simm.s32 @!p0 $0x1082;
	s9 =	sld [smem:$0x3FB6]  }
0x2f: {  	lr =	sadd.s32 s0, s3;
	s0 =	sld [smem:$0x3FAD]  }
0x30: {  	s3 =	sld [smem:$0x3FB0]  }
0x31: {  	[smem:$0x3FB9] =	sst s10  }
0x32: {  	s10 =	sld [smem:$0x3FB7];
	_ =	sdelay $0x3  }
0x33: {  	p0 =	seq.s32 s10, $0x1;
	s10 =	sld [smem:$0x3FB9];
	_ =	sdelay $0x3  }
0x34: {  	[smem:$0x3FB9] =	sst s10  }
0x35: {  	s10 =	sld [smem:$0x3FB8];
	_ =	sdelay $0x3  }
0x36: {  	p1 =	seq.s32 s10, $0x1;
	s10 =	sld [smem:$0x3FB9];
	_ =	sdelay $0x3  }
0x37: {  	[smem:$0x3FB9] =	sst s10  }
0x38: {  	s10 =	sld [smem:$0x3FBA]  }
0x39: {  	_ = 	snop;
	(pc) =	sbr.ind lr, $3  }
0x3a: {  	_ = 	snop  }
0x3b: {  	_ = 	snop  }
0x3c: {  	p2 =	seq.s32 s10, $0x1;
	s10 =	sld [smem:$0x3FB9]  }
0x3d: {  	_ =	shalt  }
0x3e: {  	_ =	shalt  }
0x3f: {  	_ =	shalt  }
0x40: {  	_ =	shalt  }
0x41: {  	_ =	shalt  }
0x42: {  	_ =	shalt  }
0x43: {  	_ =	shalt  }
0x44: {  	_ =	shalt  }
0x45: {  	_ =	shalt  }
0x46: {  	_ =	shalt  }
0x47: {  	_ =	shalt  }
0x48: {  	_ =	shalt  }
0x49: {  	_ =	shalt  }
0x4a: {  	_ =	shalt  }
0x4b: {  	_ =	shalt  }
0x4c: {  	_ =	shalt  }
0x4d: {  	_ =	shalt  }
0x4e: {  	_ =	shalt  }
0x4f: {  	_ =	shalt  }
0x50: {  	_ =	shalt  }
0x51: {  	_ =	shalt  }
0x52: {  	_ =	shalt  }
0x53: {  	_ =	shalt  }
0x54: {  	_ =	shalt  }
0x55: {  	_ =	shalt  }
0x56: {  	_ =	shalt  }
0x57: {  	_ =	shalt  }
0x58: {  	_ =	shalt  }
0x59: {  	_ =	shalt  }
0x5a: {  	_ =	shalt  }
0x5b: {  	_ =	shalt  }
0x5c: {  	_ =	shalt  }
0x5d: {  	_ =	shalt  }
0x5e: {  	_ =	shalt  }
0x5f: {  	_ =	shalt  }
0x60: {  	_ =	shalt  }
0x61: {  	_ =	shalt  }
0x62: {  	_ =	shalt  }
0x63: {  	_ =	shalt  }
0x64: {  	_ =	shalt  }
0x65: {  	_ =	shalt  }
0x66: {  	_ =	shalt  }
0x67: {  	_ =	shalt  }
0x68: {  	_ =	shalt  }
0x69: {  	_ =	shalt  }
0x6a: {  	_ =	shalt  }
0x6b: {  	_ =	shalt  }
0x6c: {  	_ =	shalt  }
0x6d: {  	_ =	shalt  }
0x6e: {  	_ =	shalt  }
0x6f: {  	_ =	shalt  }
0x70: {  	_ =	shalt  }
0x71: {  	_ =	shalt  }
0x72: {  	_ =	shalt  }
0x73: {  	_ =	shalt  }
0x74: {  	_ =	shalt  }
0x75: {  	_ =	shalt  }
0x76: {  	_ =	shalt  }
0x77: {  	_ =	shalt  }
0x78: {  	_ =	shalt  }
0x79: {  	_ =	shalt  }
0x7a: {  	_ =	shalt  }
0x7b: {  	_ =	shalt  }
0x7c: {  	_ =	shalt  }
0x7d: {  	_ =	shalt  }
0x7e: {  	_ =	shalt  }
0x7f: {  	_ =	shalt  }
0x80: {  	_ =	shalt  }
0x81: {  	_ =	shalt  }
0x82: {  	_ =	shalt  }
0x83: {  	_ =	shalt  }
0x84: {  	_ =	shalt  }
0x85: {  	_ =	shalt  }
0x86: {  	_ =	shalt  }
0x87: {  	_ =	shalt  }
.Lfunc_end0:
.L_simem_size_0:
called_computation_lowered:
.L_overlay_start_0:
0x88: {  	s2 =	sld [smem:$0x3FD9]  }
0x89: {  	s3 =	sld [smem:$0x3FFE];
	_ =	sdelay $0x1  }
0x8a: {  	s1 =	srdreg.scid  }
0x8b: {  	s0 =	sand.u32 $0x1, s1  }
0x8c: {  	s18 =	sshll.u32 s0, $0xA;
	s2 =	sadd.s32 s3, s2  }
0x8d: {  	s2 =	sadd.s32 s2, s18  }
0x8e: {  	[smem:$0x3FC5] =	sst s2  }
0x8f: {  	_ = 	snop  }
0x90: {  	s2 =	sld [smem:$0x3FC9]  }
0x91: {  	s19 =	sld [smem:$0x3FC8]  }
0x92: {  	s4 =	sld [smem:$0x3FC7]  }
0x93: {  	s5 =	sld [smem:$0x3FD0];
	(tm) =	ssettm $0x1  }
0x94: {  	s6 =	sld [smem:$0x3FFB];
	_ =	sdelay $0x3  }
0x95: {  	_ =	strace s6  }
0x96: {  	s6 =	sld [smem:$0x3FFC];
	_ =	sdelay $0x3  }
0x97: {  	_ =	strace s6  }
0x98: {  	s6 =	sld [smem:$0x3FFD];
	_ =	sdelay $0x3  }
0x99: {  	_ =	strace s6  }
0x9a: {  	_ =	strace $0x8FFFFFFF  }
0x9b: {  	s20 =	sld [smem:$0x3FDB];
	_ =	sdelay $0x1  }
0x9c: {  	s7 =	simm.s32 $_scs_section_size  }
0x9d: {  	s8 =	simm.s32 $_size__tile_overlayer_lowered;
	s9 =	simm.s32 $_tile_overlayer_lowered  }
0x9e: {  	s23 =	simm.s32 $0x1BFF;
	s22 =	sshll.u32 s9, $0x1;
	s6 =	sadd.s32 s7, s20  }
0x9f: {  	s10 =	simm.s32 $0x0;
	s21 =	sshll.u32 s8, $0x1;
	s8 =	sadd.s32 s22, s6  }
0xa0: {  	[timem:s10], [sflag:s23] =	dma.local [hbm:s8], s21  }
0xa1: {  	_ =	swait.ge [sflag:s23], s21  }
0xa2: {  	s7 =	ssub.s32 $0x0, s21;
	[sflag:s23] =	ssyncset.done $0x0  }
0xa3: {  	[sflag:s23] =	ssyncadd.s32 s7;
	_ =	sdelay $0x1  }
0xa4: {  	s24 =	simm.s32 $0x1B8B  }
0xa5: {  	_ =	swait.ge [sflag:s24], $0x1  }
0xa6: {  	[sflag:s24] =	ssyncset.done $0x0  }
0xa7: {  	s25 =	simm.s32 $0x1B8E;
	[sflag:s24] =	ssyncadd.s32 $0xFFFFFFFF  }
0xa8: {  	s26 =	simm.s32 $execute0_lowered;
	[smem:$0x3FD2] =	sst s25  }
0xa9: {  	s7 =	sshll.u32 s26, $0x1;
	_ =	strace $0x80000046;
	[dreg:$0x1] =	wrdreg $0xFFFFFFFF  }
0xaa: {  	s28 =	simm.s32 $_size_execute0_lowered;
	s6 =	sadd.s32 s6, s7;
	[dreg:$0x0] =	wrdreg $0x0  }
0xab: {  	s7 =	sshll.u32 s28, $0x1;
	[dreg:$0x2] =	wrdreg s6  }
0xac: {  	[dreg:$0x3] =	wrdreg s7  }
0xad: {  	[dreg:$0x4] =	wrdreg $0xC0  }
0xae: {  	_ =	task [dreg:s10], $0x5FFFF  }
0xaf: {  	[dreg:$0x1] =	wrdreg $0xFFFFFFFF  }
0xb0: {  	[dreg:$0x0] =	wrdreg $0x60  }
0xb1: {  	[dreg:$0x2] =	wrdreg s2  }
0xb2: {  	[dreg:$0x3] =	wrdreg s19  }
0xb3: {  	[dreg:$0x4] =	wrdreg s4  }
0xb4: {  	[dreg:$0x5] =	wrdreg s5  }
0xb5: {  	[dreg:$0x6] =	wrdreg $0x9  }
0xb6: {  	_ =	task.clear_ibuf [dreg:s10], $0x7FFFF;
	_ =	strace $0x90000046  }
0xb7: {  	s29 =	simm.s32 $0x9;
	_ =	strace $0x80000048  }
0xb8: {  	_ =	swait.ge [sflag:s29], $0x1  }
0xb9: {  	[sflag:s29] =	ssyncadd.s32 $0xFFFFFFFF  }
0xba: {  	_ =	strace $0x90000048  }
0xbb: {  	_ =	sfence  }
0xbc: {  	s30 =	sld [smem:$0x0];
	_ =	sdelay $0x2  }
0xbd: {  	s31 =	sshll.u32 s1, $0xD;
	s1 =	sshrl.u32 s1, $0x2  }
0xbe: {  	s3 =	sand.u32 $0x4000, s31;
	s1 =	sadd.s32 s1, s30  }
0xbf: {  	s0 =	sor.u32 s3, s0;
	s1 =	sshll.u32 s1, $0x11  }
0xc0: {  	s0 =	sor.u32 s1, s0  }
0xc1: {  	s0 =	sadd.s32 $0x8F2B, s0  }
0xc2: {  	[sflag:s0] =	ssyncadd.remote.s32 $0x1  }
0xc3: {  	_ =	sfence.sel $0xFFFF  }
0xc4: {  	[dreg:$0x0] =	wrdreg $0xFFFFFFFF;
	(pc) =	sbr.abs _section_cstart, $3  }
0xc5: {  	[dreg:$0x1] =	wrdreg $0xFFFFFFFF  }
0xc6: {  	_ =	task.clear_ibuf [dreg:s10], $0x2FFFF;
	_ =	strace $0x9FFFFFFF  }
0xc7: {  	(tm) =	ssettm $0x7FFFFFFF  }
tec
execute0_lowered:
.L_overlay_start_1:
0x0: {  	(tag) =	ssettag $0x1  }
0x1: {  	s1 =	rddreg [dreg:$0x0]  }
0x2: {  	s0 =	rddreg [dreg:$0x1]  }
0x3: {  	s2 =	rddreg [dreg:$0x2]  }
0x4: {  	s4 =	rddreg [dreg:$0x3]  }
0x5: {  	s3 =	srdreg.scid;
	s6 =	stileid.u32;
	s10 =	simm.s32 $0x2800  }
0x6: {  	s11 =	simm.s32 $0x3000;
	s12 =	simm.s32 $0x3800;
	s13 =	simm.s32 $0x4000  }
0x7: {  	s14 =	simm.s32 $0x4800;
	s15 =	simm.s32 $0x5000;
	s16 =	simm.s32 $0x5800  }
0x8: {  	s17 =	simm.s32 $0x6000;
	s18 =	simm.s32 $0x6800;
	s19 =	simm.s32 $0x7000  }
0x9: {  	s28 =	simm.s32 $0xB000;
	s5 =	sand.u32 $0x1, s3;
	s6 =	sshll.u32 s6, $0x1  }
0xa: {  	s29 =	simm.s32 $0xB800;
	s7 =	ssub.s32 $0x2, s5;
	s5 =	sor.u32 s5, s6  }
0xb: {  	s30 =	simm.s32 $0xC000;
	s3 =	simm.s32 $0x0;
	s5 =	smul.u32 $0x271, s5  }
0xc: {  	s31 =	simm.s32 $0x1;
	[smem:$0x7FF] =	sst s3;
	s23 =	sshrl.u32 s7, $0x1  }
.Ltmp0:
0xd: {  	_ =	strace $0x80000047;
	s0 =	sadd.s32 s0, s5;
	(pc) =	sbr.rel .LBB2_1-.Ltmp0, $4  }
0xe: {  	s6 =	ssub.s32 s7, s23;
	s24 =	sadd.s32 s2, s5;
	[dreg:$0x5] =	wrdreg s0  }
0xf: {  	v2 =	vlaneseq.u32;
	s25 =	sadd.s32 s4, s5;
	s26 =	smax.u32 s6, $0x1;
	[dreg:$0x6] =	wrdreg s24  }
0x10: {  	vm0 =	vmmov $0xffff;
	vm1 =	vcmask $0x3F3C;
	v1 =	vshrl.u32 v2, $0x3;
	s5 =	simm.s32 $0x3;
	s2 =	simm.s32 $0x2;
	[dreg:$0x7] =	wrdreg s25  }
0x11: {  	v0 =	vand.u32 $0x7, v2;
	v2 =	vor.u32 $0x8, v2;
	v1 =	vmul.u32 $0x8, v1;
	s6 =	simm.s32 $0x0;
	[dreg:$0x8] =	wrdreg s26;
	s0 =	simm.s32 $0xC800  }
.LBB2_12:
0x12: {  	s4 =	rddreg [dreg:$0x7];
	s5 =	simm.s32 $0x3  }
0x13: {  	[hbm4b:s4+s3] =	stream.linear.scatter [tilespmem:s0], [sflag:$0x3], $0x1388, $0x38;
	[tilespmem:$0xDC00] =	vst v63  }
0x14: {  	_ =	swait.ge [sflag:s5], $0x1388  }
0x15: {  	s6 =	rddreg [dreg:$0x9]  }
0x16: {  	s26 =	rddreg [dreg:$0x8];
	s6 =	sadd.s32 $0x1, s6  }
0x17: {  	p0 =	sne.s32 s6, s26  }
.Ltmp1:
0x18: {  	_ = 	snop;
	(pc) =	sbr.rel @!p0 .LBB2_13-.Ltmp1, $3  }
0x19: {  	_ =	sdelay $0x1  }
0x1a: {  	[sflag:s5] =	ssyncset.done $0x0  }
0x1b: {  	[sflag:s5] =	ssyncadd.s32 $0xFFFFEC78  }
.LBB2_1:
0x1c: {  	[dreg:$0x9] =	wrdreg s6  }
0x1d: {  	s4 =	rddreg [dreg:$0x5]  }
0x1e: {  	[tilespmem:s3], [sflag:$0x3] =	stream.linear.gather [hbm4b:s4+s3], $0x1388, $0x38;
	[tilespmem:$0xDC00] =	vst v63  }
0x1f: {  	_ =	swait.ge [sflag:s5], $0x1388  }
0x20: {  	[sflag:s5] =	ssyncset.done $0x0  }
0x21: {  	s26 =	simm.s32 $0x1400;
	s25 =	rddreg [dreg:$0x6];
	[sflag:s5] =	ssyncadd.s32 $0xFFFFEC78  }
0x22: {  	[tilespmem:s26], [sflag:$0x3] =	stream.linear.gather [hbm4b:s25+s3], $0x1388, $0x38;
	[tilespmem:$0xDC00] =	vst v63  }
0x23: {  	_ =	swait.ge [sflag:s5], $0x1388  }
0x24: {  	[sflag:s5] =	ssyncset.done $0x0  }
0x25: {  	[sflag:s5] =	ssyncadd.s32 $0xFFFFEC78  }
0x26: {  	v3 =	vld [tilespmem:$0x0];
	_ =	sdelay $0x4  }
0x27: {  	v4 =	vshll.u32 v3, $0x1  }
0x28: {  	v3 =	vand.u32 $0x7, v3;
	v4 =	vand.u32 $0xFFFFFFF0, v4  }
0x29: {  	v3 =	vor.u32 v3, v4  }
0x2a: {  	v4 =	vperm.xlane v3, v0;
	_ =	sdelay $0x1  }
0x2b: {  	v3 =	vperm.xlane v3, v2;
	v4 =	vadd.s32 v1, v4;
	_ =	sdelay $0x1  }
0x2c: {  	v3 =	vadd.s32 v1, v3;
	_ =	sdelay $0x2  }
0x2d: {  	[tilespmem:s10], [sflag:$0x1] =	stream.indirect_vreg.gather [hbm4b:s1+s3], $0x80, v4, vm0, $0xb8;
	[tilespmem:$0xDC00] =	vst v63  }
0x2e: {  	_ = 	snop  }
0x2f: {  	[tilespmem:s11], [sflag:$0x1] =	stream.indirect_vreg.gather [hbm4b:s1+s3], $0x80, v3, vm0, $0xb8;
	[tilespmem:$0xDC00] =	vst v63  }
0x30: {  	v3 =	vld [tilespmem:$0x10];
	_ =	sdelay $0x4  }
0x31: {  	v59 =	vshll.u32 v3, $0x1  }
0x32: {  	v3 =	vand.u32 $0x7, v3;
	v4 =	vand.u32 $0xFFFFFFF0, v59  }
0x33: {  	v3 =	vor.u32 v3, v4  }
0x34: {  	v4 =	vperm.xlane v3, v0;
	_ =	sdelay $0x1  }
0x35: {  	v3 =	vperm.xlane v3, v2;
	v4 =	vadd.s32 v1, v4;
	_ =	sdelay $0x1  }
0x36: {  	v3 =	vadd.s32 v1, v3;
	_ =	sdelay $0x2  }
0x37: {  	[tilespmem:s12], [sflag:$0x1] =	stream.indirect_vreg.gather [hbm4b:s1+s3], $0x80, v4, vm0, $0xb8;
	[tilespmem:$0xDC00] =	vst v63  }
0x38: {  	_ = 	snop  }
0x39: {  	[tilespmem:s13], [sflag:$0x1] =	stream.indirect_vreg.gather [hbm4b:s1+s3], $0x80, v3, vm0, $0xb8;
	[tilespmem:$0xDC00] =	vst v63  }
0x3a: {  	v3 =	vld.msk [tilespmem:$0x20], $0xff;
	_ =	sdelay $0x4  }
0x3b: {  	v60 =	vshll.u32 v3, $0x1  }
0x3c: {  	v3 =	vand.u32 $0x7, v3;
	v4 =	vand.u32 $0xFFFFFFF0, v60  }
0x3d: {  	v3 =	vor.u32 v3, v4  }
0x3e: {  	v3 =	vperm.xlane v3, v0;
	_ =	sdelay $0x1  }
0x3f: {  	v3 =	vadd.s32 v1, v3;
	_ =	sdelay $0x4  }
0x40: {  	[tilespmem:s14], [sflag:$0x1] =	stream.indirect_vreg.gather [hbm4b:s1+s3], $0x80, v3, vm0, $0xb8;
	[tilespmem:$0xDC00] =	vst v63  }
0x41: {  	v3 =	vld [tilespmem:$0x1400];
	_ =	sdelay $0x4  }
0x42: {  	v61 =	vshll.u32 v3, $0x1  }
0x43: {  	v3 =	vand.u32 $0x7, v3;
	v4 =	vand.u32 $0xFFFFFFF0, v61  }
0x44: {  	v3 =	vor.u32 v3, v4  }
0x45: {  	v4 =	vperm.xlane v3, v0;
	_ =	sdelay $0x1  }
0x46: {  	v3 =	vperm.xlane v3, v2;
	v4 =	vadd.s32 v1, v4;
	_ =	sdelay $0x1  }
0x47: {  	v3 =	vadd.s32 v1, v3;
	_ =	sdelay $0x2  }
0x48: {  	[tilespmem:s15], [sflag:$0x1] =	stream.indirect_vreg.gather [hbm4b:s1+s3], $0x80, v4, vm0, $0xb8;
	[tilespmem:$0xDC00] =	vst v63  }
0x49: {  	_ = 	snop  }
0x4a: {  	[tilespmem:s16], [sflag:$0x1] =	stream.indirect_vreg.gather [hbm4b:s1+s3], $0x80, v3, vm0, $0xb8;
	[tilespmem:$0xDC00] =	vst v63  }
0x4b: {  	v3 =	vld [tilespmem:$0x1410];
	_ =	sdelay $0x4  }
0x4c: {  	v62 =	vshll.u32 v3, $0x1  }
0x4d: {  	v3 =	vand.u32 $0x7, v3;
	v4 =	vand.u32 $0xFFFFFFF0, v62  }
0x4e: {  	v3 =	vor.u32 v3, v4  }
0x4f: {  	v4 =	vperm.xlane v3, v0;
	_ =	sdelay $0x1  }
0x50: {  	v3 =	vperm.xlane v3, v2;
	v4 =	vadd.s32 v1, v4;
	_ =	sdelay $0x1  }
0x51: {  	v3 =	vadd.s32 v1, v3;
	_ =	sdelay $0x2  }
0x52: {  	[tilespmem:s17], [sflag:$0x1] =	stream.indirect_vreg.gather [hbm4b:s1+s3], $0x80, v4, vm0, $0xb8;
	[tilespmem:$0xDC00] =	vst v63  }
0x53: {  	_ = 	snop  }
0x54: {  	[tilespmem:s18], [sflag:$0x1] =	stream.indirect_vreg.gather [hbm4b:s1+s3], $0x80, v3, vm0, $0xb8;
	[tilespmem:$0xDC00] =	vst v63  }
0x55: {  	v3 =	vld.msk [tilespmem:$0x1420], $0xff;
	_ =	sdelay $0x4  }
0x56: {  	v63 =	vshll.u32 v3, $0x1  }
0x57: {  	v3 =	vand.u32 $0x7, v3;
	v4 =	vand.u32 $0xFFFFFFF0, v63  }
0x58: {  	v3 =	vor.u32 v3, v4  }
0x59: {  	v3 =	vperm.xlane v3, v0;
	_ =	sdelay $0x1  }
0x5a: {  	v3 =	vadd.s32 v1, v3  }
.Ltmp2:
0x5b: {  	_ = 	snop;
	(pc) =	sbr.rel .LBB2_2-.Ltmp2, $3  }
0x5c: {  	_ =	sdelay $0x1  }
0x5d: {  	s4 =	simm.s32 $0x0;
	s5 =	simm.s32 $0x0  }
0x5e: {  	[tilespmem:s19], [sflag:$0x1] =	stream.indirect_vreg.gather [hbm4b:s1+s3], $0x80, v3, vm0, $0xb8;
	[tilespmem:$0xDC00] =	vst v63  }
.LBB2_11:
0x5f: {  	s5 =	sadd.s32 $0x1, s5  }
0x60: {  	p0 =	sne.s32 s5, $0x3F  }
.Ltmp3:
0x61: {  	_ = 	snop;
	(pc) =	sbr.rel @!p0 .LBB2_12-.Ltmp3, $2  }
0x62: {  	_ =	sdelay $0x2  }
0x63: {  	s4 =	sadd.s32 $0x50, s4  }
.LBB2_2:
0x64: {  	s6 =	sshllo.u32 s5, $0x1  }
0x65: {  	p0 =	sgt.u32 s6, $0x7C  }
.Ltmp4:
0x66: {  	_ = 	snop;
	(pc) =	sbr.rel @p0 .LBB2_4-.Ltmp4, $1  }
0x67: {  	_ =	sdelay $0x3  }
0x68: {  	s6 =	smul.u32 $0x28, s6;
	_ =	sdelay $0x1  }
0x69: {  	v3 =	vld [tilespmem:s6+$0x0];
	_ =	sdelay $0x4  }
0x6a: {  	v4 =	vshll.u32 v3, $0x1  }
0x6b: {  	v3 =	vand.u32 $0x7, v3;
	v4 =	vand.u32 $0xFFFFFFF0, v4  }
0x6c: {  	v3 =	vor.u32 v3, v4  }
0x6d: {  	v4 =	vperm.xlane v3, v0;
	_ =	sdelay $0x1  }
0x6e: {  	v3 =	vperm.xlane v3, v2;
	v4 =	vadd.s32 v1, v4;
	_ =	sdelay $0x1  }
0x6f: {  	v3 =	vadd.s32 v1, v3;
	_ =	sdelay $0x1  }
0x70: {  	s7 =	simm.s32 $0x7800  }
0x71: {  	[tilespmem:s7], [sflag:$0x2] =	stream.indirect_vreg.gather [hbm4b:s1+s3], $0x80, v4, vm0, $0xb8;
	[tilespmem:$0xDC00] =	vst v63  }
0x72: {  	s21 =	simm.s32 $0x8000  }
0x73: {  	[tilespmem:s21], [sflag:$0x2] =	stream.indirect_vreg.gather [hbm4b:s1+s3], $0x80, v3, vm0, $0xb8;
	[tilespmem:$0xDC00] =	vst v63  }
0x74: {  	v3 =	vld [tilespmem:s6+$0x10];
	_ =	sdelay $0x4  }
0x75: {  	v59 =	vshll.u32 v3, $0x1  }
0x76: {  	v3 =	vand.u32 $0x7, v3;
	v4 =	vand.u32 $0xFFFFFFF0, v59  }
0x77: {  	v3 =	vor.u32 v3, v4  }
0x78: {  	v4 =	vperm.xlane v3, v0;
	_ =	sdelay $0x1  }
0x79: {  	v3 =	vperm.xlane v3, v2;
	v4 =	vadd.s32 v1, v4;
	_ =	sdelay $0x1  }
0x7a: {  	v3 =	vadd.s32 v1, v3;
	_ =	sdelay $0x1  }
0x7b: {  	s22 =	simm.s32 $0x8800  }
0x7c: {  	[tilespmem:s22], [sflag:$0x2] =	stream.indirect_vreg.gather [hbm4b:s1+s3], $0x80, v4, vm0, $0xb8;
	[tilespmem:$0xDC00] =	vst v63  }
0x7d: {  	s23 =	simm.s32 $0x9000  }
0x7e: {  	[tilespmem:s23], [sflag:$0x2] =	stream.indirect_vreg.gather [hbm4b:s1+s3], $0x80, v3, vm0, $0xb8;
	[tilespmem:$0xDC00] =	vst v63  }
0x7f: {  	v3 =	vld.msk [tilespmem:s6+$0x20], $0xff;
	_ =	sdelay $0x4  }
0x80: {  	v60 =	vshll.u32 v3, $0x1  }
0x81: {  	v3 =	vand.u32 $0x7, v3;
	v4 =	vand.u32 $0xFFFFFFF0, v60  }
0x82: {  	v3 =	vor.u32 v3, v4  }
0x83: {  	v3 =	vperm.xlane v3, v0;
	_ =	sdelay $0x1  }
0x84: {  	v3 =	vadd.s32 v1, v3;
	_ =	sdelay $0x3  }
0x85: {  	s24 =	simm.s32 $0x9800  }
0x86: {  	[tilespmem:s24], [sflag:$0x2] =	stream.indirect_vreg.gather [hbm4b:s1+s3], $0x80, v3, vm0, $0xb8;
	[tilespmem:$0xDC00] =	vst v63  }
0x87: {  	v3 =	vld [tilespmem:s6+$0x1400];
	_ =	sdelay $0x4  }
0x88: {  	v61 =	vshll.u32 v3, $0x1  }
0x89: {  	v3 =	vand.u32 $0x7, v3;
	v4 =	vand.u32 $0xFFFFFFF0, v61  }
0x8a: {  	v3 =	vor.u32 v3, v4  }
0x8b: {  	v4 =	vperm.xlane v3, v0;
	_ =	sdelay $0x1  }
0x8c: {  	v3 =	vperm.xlane v3, v2;
	v4 =	vadd.s32 v1, v4;
	_ =	sdelay $0x1  }
0x8d: {  	v3 =	vadd.s32 v1, v3;
	_ =	sdelay $0x1  }
0x8e: {  	s25 =	simm.s32 $0xA000  }
0x8f: {  	[tilespmem:s25], [sflag:$0x2] =	stream.indirect_vreg.gather [hbm4b:s1+s3], $0x80, v4, vm0, $0xb8;
	[tilespmem:$0xDC00] =	vst v63  }
0x90: {  	s26 =	simm.s32 $0xA800  }
0x91: {  	[tilespmem:s26], [sflag:$0x2] =	stream.indirect_vreg.gather [hbm4b:s1+s3], $0x80, v3, vm0, $0xb8;
	[tilespmem:$0xDC00] =	vst v63  }
0x92: {  	v3 =	vld [tilespmem:s6+$0x1410];
	_ =	sdelay $0x4  }
0x93: {  	v62 =	vshll.u32 v3, $0x1  }
0x94: {  	v3 =	vand.u32 $0x7, v3;
	v4 =	vand.u32 $0xFFFFFFF0, v62  }
0x95: {  	v3 =	vor.u32 v3, v4  }
0x96: {  	v4 =	vperm.xlane v3, v0;
	_ =	sdelay $0x1  }
0x97: {  	v3 =	vperm.xlane v3, v2;
	v4 =	vadd.s32 v1, v4;
	_ =	sdelay $0x1  }
0x98: {  	v3 =	vadd.s32 v1, v3;
	_ =	sdelay $0x2  }
0x99: {  	[tilespmem:s28], [sflag:$0x2] =	stream.indirect_vreg.gather [hbm4b:s1+s3], $0x80, v4, vm0, $0xb8;
	[tilespmem:$0xDC00] =	vst v63  }
0x9a: {  	_ = 	snop  }
0x9b: {  	[tilespmem:s29], [sflag:$0x2] =	stream.indirect_vreg.gather [hbm4b:s1+s3], $0x80, v3, vm0, $0xb8;
	[tilespmem:$0xDC00] =	vst v63  }
0x9c: {  	v3 =	vld.msk [tilespmem:s6+$0x1420], $0xff;
	_ =	sdelay $0x4  }
0x9d: {  	v63 =	vshll.u32 v3, $0x1  }
0x9e: {  	v3 =	vand.u32 $0x7, v3;
	v4 =	vand.u32 $0xFFFFFFF0, v63  }
0x9f: {  	v3 =	vor.u32 v3, v4  }
0xa0: {  	v3 =	vperm.xlane v3, v0;
	_ =	sdelay $0x1  }
0xa1: {  	v3 =	vadd.s32 v1, v3;
	_ =	sdelay $0x4  }
0xa2: {  	[tilespmem:s30], [sflag:$0x2] =	stream.indirect_vreg.gather [hbm4b:s1+s3], $0x80, v3, vm0, $0xb8;
	[tilespmem:$0xDC00] =	vst v63  }
.LBB2_4:
0xa3: {  	_ =	swait.ge [sflag:s31], $0x2800  }
0xa4: {  	[sflag:s31] =	ssyncset.done $0x0  }
0xa5: {  	s6 =	smul.u32 $0x50, s5;
	[sflag:s31] =	ssyncadd.s32 $0xFFFFD800  }
0xa6: {  	s7 =	simm.s32 $0xFFFFFFFC;
	s8 =	simm.s32 $0x180;
	_ =	swait.ge [sflag:s31], $0x2800  }
0xa7: {  	s9 =	simm.s32 $0x0;
	p1 =	por $0x0, $0x0;
	[sflag:s31] =	ssyncset.done $0x0  }
0xa8: {  	s20 =	simm.s32 $0x0;
	s21 =	simm.s32 $0x0;
	[sflag:s31] =	ssyncadd.s32 $0xFFFFD800  }
.LBB2_5:
0xa9: {  	s23 =	sadd.s32 $0xFFFFFE80, s8  }
0xaa: {  	s22 =	sand.u32 $0x3800, s20;
	s23 =	sand.u32 $0x200, s23  }
0xab: {  	s23 =	sor.u32 s23, s22  }
0xac: {  	v3 =	vld [tilespmem:s23+$0x2800]  }
0xad: {  	v4 =	vld [tilespmem:s23+$0x5000]  }
0xae: {  	v5 =	vld [tilespmem:s23+$0x2810]  }
0xaf: {  	v6 =	vld [tilespmem:s23+$0x5010]  }
0xb0: {  	v7 =	vld [tilespmem:s23+$0x2820]  }
0xb1: {  	v8 =	vld [tilespmem:s23+$0x5020]  }
0xb2: {  	v9 =	vld [tilespmem:s23+$0x2830]  }
0xb3: {  	v10 =	vld [tilespmem:s23+$0x5030]  }
0xb4: {  	v11 =	vld [tilespmem:s23+$0x2840]  }
0xb5: {  	v12 =	vld [tilespmem:s23+$0x5040]  }
0xb6: {  	v13 =	vld [tilespmem:s23+$0x2850]  }
0xb7: {  	s24 =	simm.s32 $0x1;
	v14 =	vld [tilespmem:s23+$0x5050]  }
0xb8: {  	s24 =	simm.s32 @!p1 $0x0;
	v15 =	vld [tilespmem:s23+$0x2860]  }
0xb9: {  	s24 =	sshll.u32 s24, $0x9;
	v16 =	vld [tilespmem:s23+$0x5060]  }
0xba: {  	v17 =	vld [tilespmem:s23+$0x2870];
	s24 =	sadd.s32 s24, s20  }
0xbb: {  	v18 =	vld [tilespmem:s23+$0x5070];
	s26 =	sor.u32 $0x400, s24  }
0xbc: {  	v19 =	vld [tilespmem:s26+$0x2800]  }
0xbd: {  	s25 =	sor.u32 $0x410, s24;
	v20 =	vld [tilespmem:s26+$0x5000]  }
0xbe: {  	v21 =	vld [tilespmem:s25+$0x2800]  }
0xbf: {  	v22 =	vld [tilespmem:s25+$0x5000];
	s26 =	sor.u32 $0x420, s24  }
0xc0: {  	v23 =	vld [tilespmem:s26+$0x2800]  }
0xc1: {  	s25 =	sor.u32 $0x430, s24;
	v24 =	vld [tilespmem:s26+$0x5000]  }
0xc2: {  	v25 =	vld [tilespmem:s25+$0x2800]  }
0xc3: {  	v26 =	vld [tilespmem:s25+$0x5000];
	s26 =	sor.u32 $0x440, s24  }
0xc4: {  	v27 =	vld [tilespmem:s26+$0x2800]  }
0xc5: {  	s25 =	sor.u32 $0x450, s24;
	v28 =	vld [tilespmem:s26+$0x5000]  }
0xc6: {  	v29 =	vld [tilespmem:s25+$0x2800]  }
0xc7: {  	v30 =	vld [tilespmem:s25+$0x5000];
	s26 =	sor.u32 $0x460, s24  }
0xc8: {  	v3 =	vmul.f32 v4, v3;
	v41 =	vmul.f32 v6, v5;
	v42 =	vld [tilespmem:s26+$0x2800]  }
0xc9: {  	s25 =	sor.u32 $0x470, s24;
	v43 =	vmul.f32 v8, v7;
	v44 =	vmul.f32 v12, v11;
	v45 =	vld [tilespmem:s26+$0x5000]  }
0xca: {  	v9 =	vmul.f32 v10, v9;
	v46 =	vmul.f32 v14, v13;
	v47 =	vld [tilespmem:s25+$0x2800]  }
0xcb: {  	v48 =	vmul.f32 v16, v15;
	v49 =	vmul.f32 v18, v17;
	v50 =	vld [tilespmem:s25+$0x5000];
	v3 =	vadd.f32 v44, v3  }
0xcc: {  	v4 =	vadd.f32 v46, v41;
	v51 =	vmul.f32 v20, v19;
	v52 =	vmul.f32 v22, v21  }
0xcd: {  	v6 =	vadd.f32 v48, v43;
	v53 =	vadd.f32 v49, v9;
	v54 =	vmul.f32 v24, v23  }
0xce: {  	v55 =	vmul.f32 v26, v25;
	v3 =	vadd.f32 v51, v3;
	v4 =	vadd.f32 v52, v4  }
0xcf: {  	v56 =	vmul.f32 v28, v27;
	v57 =	vmul.f32 v30, v29;
	v6 =	vadd.f32 v54, v6  }
0xd0: {  	v7 =	vadd.f32 v55, v53;
	v5 =	vmul.f32 v45, v42;
	v58 =	vmul.f32 v50, v47  }
0xd1: {  	v3 =	vadd.f32 v56, v3;
	v4 =	vadd.f32 v57, v4  }
0xd2: {  	v5 =	vadd.f32 v5, v6;
	v59 =	vadd.f32 v58, v7;
	_ =	sdelay $0x1  }
0xd3: {  	v3 =	vadd.f32 v4, v3;
	v60 =	vadd.f32 v59, v5;
	_ =	sdelay $0x1  }
0xd4: {  	v3 =	vadd.f32 v60, v3;
	_ =	sdelay $0x1  }
0xd5: {  	(xrf2) =	vadd.scan.msk.f32 $0xffff, v3  }
0xd6: {  	s23 =	sadd.s32 s7, s4  }
0xd7: {  	s26 =	sadd.s32 $0x4, s23  }
0xd8: {  	v3 =	vmov s26  }
0xd9: {  	v3 =	vand.u32 $0xFFFFFFFC, v3  }
0xda: {  	v3 =	vbroadcast v3, $0x0;
	_ =	sdelay $0x3  }
0xdb: {  	s25 =	sadd.s32 $0xFFFFFF00, s8  }
0xdc: {  	s24 =	sand.u32 $0x280, s25;
	v61, _, _ =	vpop (xrf2)  }
0xdd: {  	s25 =	sor.u32 s22, s24;
	[tilespmem:v3+s0+$0x0] =	vst.idx.msk vm1, v61  }
0xde: {  	v3 =	vld [tilespmem:s25+$0x2800]  }
0xdf: {  	v4 =	vld [tilespmem:s25+$0x5000]  }
0xe0: {  	v62 =	vld [tilespmem:s25+$0x2810]  }
0xe1: {  	v63 =	vld [tilespmem:s25+$0x5010]  }
0xe2: {  	v33 =	vld [tilespmem:s25+$0x2820]  }
0xe3: {  	v34 =	vld [tilespmem:s25+$0x5020]  }
0xe4: {  	v35 =	vld [tilespmem:s25+$0x2830]  }
0xe5: {  	v36 =	vld [tilespmem:s25+$0x5030]  }
0xe6: {  	v37 =	vld [tilespmem:s25+$0x2840]  }
0xe7: {  	v38 =	vld [tilespmem:s25+$0x5040]  }
0xe8: {  	v39 =	vld [tilespmem:s25+$0x2850]  }
0xe9: {  	s26 =	sand.u32 $0x7, s21;
	v40 =	vld [tilespmem:s25+$0x5050]  }
0xea: {  	s24 =	sshll.u32 s26, $0x7;
	v41 =	vld [tilespmem:s25+$0x2860]  }
0xeb: {  	s24 =	sadd.s32 s20, s24;
	v42 =	vld [tilespmem:s25+$0x5060]  }
0xec: {  	s26 =	sadd.s32 $0x80, s24;
	v43 =	vld [tilespmem:s25+$0x2870]  }
0xed: {  	v44 =	vld [tilespmem:s25+$0x5070];
	s25 =	sor.u32 $0x400, s26  }
0xee: {  	v45 =	vld [tilespmem:s25+$0x2800]  }
0xef: {  	v46 =	vld [tilespmem:s25+$0x5000];
	s25 =	sor.u32 $0x410, s26  }
0xf0: {  	v47 =	vld [tilespmem:s25+$0x2800]  }
0xf1: {  	v48 =	vld [tilespmem:s25+$0x5000];
	s25 =	sor.u32 $0x420, s26  }
0xf2: {  	v49 =	vld [tilespmem:s25+$0x2800]  }
0xf3: {  	v50 =	vld [tilespmem:s25+$0x5000];
	s25 =	sor.u32 $0x430, s26  }
0xf4: {  	v51 =	vld [tilespmem:s25+$0x2800]  }
0xf5: {  	v52 =	vld [tilespmem:s25+$0x5000];
	s25 =	sor.u32 $0x440, s26  }
0xf6: {  	v53 =	vld [tilespmem:s25+$0x2800]  }
0xf7: {  	v54 =	vld [tilespmem:s25+$0x5000];
	s25 =	sor.u32 $0x450, s26  }
0xf8: {  	v55 =	vld [tilespmem:s25+$0x2800]  }
0xf9: {  	v3 =	vmul.f32 v4, v3;
	v56 =	vld [tilespmem:s25+$0x5000];
	s25 =	sor.u32 $0x460, s26  }
0xfa: {  	v57 =	vmul.f32 v63, v62;
	v59 =	vmul.f32 v34, v33;
	v58 =	vld [tilespmem:s25+$0x2800]  }
0xfb: {  	v60 =	vmul.f32 v38, v37;
	v9 =	vmul.f32 v36, v35;
	s26 =	sor.u32 $0x470, s26;
	v61 =	vld [tilespmem:s25+$0x5000]  }
0xfc: {  	v62 =	vmul.f32 v40, v39;
	v16 =	vmul.f32 v42, v41;
	v63 =	vld [tilespmem:s26+$0x2800]  }
0xfd: {  	v17 =	vmul.f32 v44, v43;
	v20 =	vmul.f32 v46, v45;
	v18 =	vld [tilespmem:s26+$0x5000]  }
0xfe: {  	v3 =	vadd.f32 v60, v3;
	v4 =	vadd.f32 v62, v57;
	v21 =	vmul.f32 v48, v47  }
0xff: {  	v6 =	vadd.f32 v16, v59;
	v22 =	vadd.f32 v17, v9;
	v24 =	vmul.f32 v50, v49  }
0x100: {  	v3 =	vadd.f32 v20, v3;
	v4 =	vadd.f32 v21, v4;
	v26 =	vmul.f32 v52, v51  }
0x101: {  	v6 =	vadd.f32 v24, v6;
	v28 =	vmul.f32 v54, v53;
	v30 =	vmul.f32 v56, v55  }
0x102: {  	v7 =	vadd.f32 v26, v22;
	v5 =	vmul.f32 v61, v58;
	v31 =	vmul.f32 v18, v63  }
0x103: {  	v3 =	vadd.f32 v28, v3;
	v4 =	vadd.f32 v30, v4  }
0x104: {  	v5 =	vadd.f32 v5, v6;
	v32 =	vadd.f32 v31, v7;
	_ =	sdelay $0x1  }
0x105: {  	v3 =	vadd.f32 v4, v3;
	v33 =	vadd.f32 v32, v5;
	_ =	sdelay $0x1  }
0x106: {  	v3 =	vadd.f32 v33, v3;
	_ =	sdelay $0x1  }
0x107: {  	(xrf2) =	vadd.scan.msk.f32 $0xffff, v3;
	_ =	sdelay $0x1  }
0x108: {  	s26 =	sadd.s32 $0x5, s23  }
0x109: {  	v3 =	vmov s26  }
0x10a: {  	v3 =	vand.u32 $0xFFFFFFFD, v3  }
0x10b: {  	v3 =	vbroadcast v3, $0x0;
	_ =	sdelay $0x3  }
0x10c: {  	s26 =	sadd.s32 $0xFFFFFF80, s8  }
0x10d: {  	s25 =	sand.u32 $0x300, s26;
	v34, _, _ =	vpop (xrf2)  }
0x10e: {  	s25 =	sor.u32 s22, s25;
	[tilespmem:v3+s0+$0x0] =	vst.idx.msk vm1, v34  }
0x10f: {  	v3 =	vld [tilespmem:s25+$0x2800]  }
0x110: {  	v4 =	vld [tilespmem:s25+$0x5000]  }
0x111: {  	v35 =	vld [tilespmem:s25+$0x2810]  }
0x112: {  	v36 =	vld [tilespmem:s25+$0x5010]  }
0x113: {  	v37 =	vld [tilespmem:s25+$0x2820]  }
0x114: {  	v38 =	vld [tilespmem:s25+$0x5020]  }
0x115: {  	v39 =	vld [tilespmem:s25+$0x2830]  }
0x116: {  	v40 =	vld [tilespmem:s25+$0x5030]  }
0x117: {  	v41 =	vld [tilespmem:s25+$0x2840]  }
0x118: {  	v42 =	vld [tilespmem:s25+$0x5040]  }
0x119: {  	v43 =	vld [tilespmem:s25+$0x2850]  }
0x11a: {  	s26 =	sand.u32 $0x3, s9;
	v44 =	vld [tilespmem:s25+$0x5050]  }
0x11b: {  	s26 =	sshll.u32 s26, $0x8;
	v45 =	vld [tilespmem:s25+$0x2860]  }
0x11c: {  	s26 =	sadd.s32 s20, s26;
	v46 =	vld [tilespmem:s25+$0x5060]  }
0x11d: {  	s26 =	sadd.s32 $0x100, s26;
	v47 =	vld [tilespmem:s25+$0x2870]  }
0x11e: {  	v48 =	vld [tilespmem:s25+$0x5070];
	s25 =	sor.u32 $0x400, s26  }
0x11f: {  	v49 =	vld [tilespmem:s25+$0x2800]  }
0x120: {  	v50 =	vld [tilespmem:s25+$0x5000];
	s25 =	sor.u32 $0x410, s26  }
0x121: {  	v51 =	vld [tilespmem:s25+$0x2800]  }
0x122: {  	v52 =	vld [tilespmem:s25+$0x5000];
	s25 =	sor.u32 $0x420, s26  }
0x123: {  	v53 =	vld [tilespmem:s25+$0x2800]  }
0x124: {  	v54 =	vld [tilespmem:s25+$0x5000];
	s25 =	sor.u32 $0x430, s26  }
0x125: {  	v55 =	vld [tilespmem:s25+$0x2800]  }
0x126: {  	v56 =	vld [tilespmem:s25+$0x5000];
	s25 =	sor.u32 $0x440, s26  }
0x127: {  	v57 =	vld [tilespmem:s25+$0x2800]  }
0x128: {  	v58 =	vld [tilespmem:s25+$0x5000];
	s25 =	sor.u32 $0x450, s26  }
0x129: {  	v59 =	vld [tilespmem:s25+$0x2800]  }
0x12a: {  	v3 =	vmul.f32 v4, v3;
	v60 =	vld [tilespmem:s25+$0x5000];
	s25 =	sor.u32 $0x460, s26  }
0x12b: {  	v61 =	vmul.f32 v36, v35;
	v63 =	vmul.f32 v38, v37;
	v62 =	vld [tilespmem:s25+$0x2800]  }
0x12c: {  	v12 =	vmul.f32 v42, v41;
	v9 =	vmul.f32 v40, v39;
	s26 =	sor.u32 $0x470, s26;
	v31 =	vld [tilespmem:s25+$0x5000]  }
0x12d: {  	v32 =	vmul.f32 v44, v43;
	v34 =	vmul.f32 v46, v45;
	v33 =	vld [tilespmem:s26+$0x2800]  }
0x12e: {  	v35 =	vmul.f32 v48, v47;
	v37 =	vmul.f32 v50, v49;
	v36 =	vld [tilespmem:s26+$0x5000]  }
0x12f: {  	v3 =	vadd.f32 v12, v3;
	v4 =	vadd.f32 v32, v61;
	v38 =	vmul.f32 v52, v51  }
0x130: {  	v6 =	vadd.f32 v34, v63;
	v39 =	vadd.f32 v35, v9;
	v40 =	vmul.f32 v54, v53  }
0x131: {  	v3 =	vadd.f32 v37, v3;
	v4 =	vadd.f32 v38, v4;
	v41 =	vmul.f32 v56, v55  }
0x132: {  	v6 =	vadd.f32 v40, v6;
	v42 =	vmul.f32 v58, v57;
	v43 =	vmul.f32 v60, v59  }
0x133: {  	v7 =	vadd.f32 v41, v39;
	v5 =	vmul.f32 v31, v62;
	v44 =	vmul.f32 v36, v33  }
0x134: {  	v3 =	vadd.f32 v42, v3;
	v4 =	vadd.f32 v43, v4  }
0x135: {  	v5 =	vadd.f32 v5, v6;
	v45 =	vadd.f32 v44, v7;
	_ =	sdelay $0x1  }
0x136: {  	v3 =	vadd.f32 v4, v3;
	v46 =	vadd.f32 v45, v5;
	_ =	sdelay $0x1  }
0x137: {  	v3 =	vadd.f32 v46, v3;
	_ =	sdelay $0x1  }
0x138: {  	(xrf2) =	vadd.scan.msk.f32 $0xffff, v3;
	_ =	sdelay $0x1  }
0x139: {  	s26 =	sadd.s32 $0x6, s23  }
0x13a: {  	v3 =	vmov s26  }
0x13b: {  	v3 =	vand.u32 $0xFFFFFFFE, v3  }
0x13c: {  	v3 =	vbroadcast v3, $0x0;
	_ =	sdelay $0x4  }
0x13d: {  	s26 =	sand.u32 $0x380, s8;
	v47, _, _ =	vpop (xrf2)  }
0x13e: {  	s22 =	sor.u32 s22, s26;
	[tilespmem:v3+s0+$0x0] =	vst.idx.msk vm1, v47  }
0x13f: {  	v3 =	vld [tilespmem:s22+$0x2800]  }
0x140: {  	v4 =	vld [tilespmem:s22+$0x5000]  }
0x141: {  	v48 =	vld [tilespmem:s22+$0x2810]  }
0x142: {  	v49 =	vld [tilespmem:s22+$0x5010]  }
0x143: {  	v50 =	vld [tilespmem:s22+$0x2820]  }
0x144: {  	v51 =	vld [tilespmem:s22+$0x5020]  }
0x145: {  	v52 =	vld [tilespmem:s22+$0x2830]  }
0x146: {  	v53 =	vld [tilespmem:s22+$0x5030]  }
0x147: {  	v54 =	vld [tilespmem:s22+$0x2840]  }
0x148: {  	v55 =	vld [tilespmem:s22+$0x5040]  }
0x149: {  	v56 =	vld [tilespmem:s22+$0x2850]  }
0x14a: {  	v57 =	vld [tilespmem:s22+$0x5050]  }
0x14b: {  	v58 =	vld [tilespmem:s22+$0x2860]  }
0x14c: {  	v59 =	vld [tilespmem:s22+$0x5060]  }
0x14d: {  	s24 =	sadd.s32 $0x180, s24;
	v60 =	vld [tilespmem:s22+$0x2870]  }
0x14e: {  	s26 =	sor.u32 $0x400, s24;
	v61 =	vld [tilespmem:s22+$0x5070]  }
0x14f: {  	v62 =	vld [tilespmem:s26+$0x2800]  }
0x150: {  	s25 =	sor.u32 $0x410, s24;
	v63 =	vld [tilespmem:s26+$0x5000]  }
0x151: {  	v33 =	vld [tilespmem:s25+$0x2800]  }
0x152: {  	v34 =	vld [tilespmem:s25+$0x5000];
	s26 =	sor.u32 $0x420, s24  }
0x153: {  	v35 =	vld [tilespmem:s26+$0x2800]  }
0x154: {  	s25 =	sor.u32 $0x430, s24;
	v36 =	vld [tilespmem:s26+$0x5000]  }
0x155: {  	v37 =	vld [tilespmem:s25+$0x2800]  }
0x156: {  	v38 =	vld [tilespmem:s25+$0x5000];
	s26 =	sor.u32 $0x440, s24  }
0x157: {  	v39 =	vld [tilespmem:s26+$0x2800]  }
0x158: {  	s25 =	sor.u32 $0x450, s24;
	v40 =	vld [tilespmem:s26+$0x5000]  }
0x159: {  	v41 =	vld [tilespmem:s25+$0x2800]  }
0x15a: {  	v42 =	vld [tilespmem:s25+$0x5000];
	s26 =	sor.u32 $0x460, s24;
	v3 =	vmul.f32 v4, v3  }
0x15b: {  	v44 =	vld [tilespmem:s26+$0x2800];
	v43 =	vmul.f32 v49, v48;
	v45 =	vmul.f32 v51, v50  }
0x15c: {  	s25 =	sor.u32 $0x470, s24;
	v47 =	vld [tilespmem:s26+$0x5000];
	v46 =	vmul.f32 v55, v54;
	v9 =	vmul.f32 v53, v52  }
0x15d: {  	v48 =	vmul.f32 v57, v56;
	v49 =	vld [tilespmem:s25+$0x2800];
	v50 =	vmul.f32 v59, v58  }
0x15e: {  	v51 =	vmul.f32 v61, v60;
	v52 =	vld [tilespmem:s25+$0x5000];
	v53 =	vmul.f32 v63, v62  }
0x15f: {  	v54 =	vmul.f32 v34, v33;
	v56 =	vmul.f32 v36, v35;
	v3 =	vadd.f32 v46, v3  }
0x160: {  	v57 =	vmul.f32 v38, v37;
	v4 =	vadd.f32 v48, v43;
	v6 =	vadd.f32 v50, v45  }
0x161: {  	v55 =	vadd.f32 v51, v9;
	v58 =	vmul.f32 v40, v39;
	v59 =	vmul.f32 v42, v41  }
0x162: {  	v5 =	vmul.f32 v47, v44;
	v3 =	vadd.f32 v53, v3;
	v4 =	vadd.f32 v54, v4  }
0x163: {  	v6 =	vadd.f32 v56, v6;
	v7 =	vadd.f32 v57, v55;
	v60 =	vmul.f32 v52, v49  }
0x164: {  	v3 =	vadd.f32 v58, v3;
	v4 =	vadd.f32 v59, v4  }
0x165: {  	v5 =	vadd.f32 v5, v6;
	v61 =	vadd.f32 v60, v7;
	_ =	sdelay $0x1  }
0x166: {  	v3 =	vadd.f32 v4, v3;
	v62 =	vadd.f32 v61, v5;
	_ =	sdelay $0x1  }
0x167: {  	v3 =	vadd.f32 v62, v3;
	_ =	sdelay $0x1  }
0x168: {  	(xrf2) =	vadd.scan.msk.f32 $0xffff, v3;
	_ =	sdelay $0x4  }
0x169: {  	s7 =	sadd.s32 $0x4, s7;
	s26 =	sadd.s32 $0x7, s23  }
0x16a: {  	p2 =	slt.u32 s7, $0x24;
	v3 =	vmov s26  }
.Ltmp5:
0x16b: {  	_ = 	snop;
	(pc) =	sbr.rel @p2 .LBB2_5-.Ltmp5, $3  }
0x16c: {  	_ =	sdelay $0x1  }
0x16d: {  	p1 =	por !p1, !p1;
	s21 =	sadd.s32 $0x4, s21;
	v63, _, _ =	vpop (xrf2)  }
0x16e: {  	s9 =	sadd.s32 $0x2, s9;
	s20 =	sadd.s32 $0x400, s20;
	s8 =	sadd.s32 $0x200, s8;
	[tilespmem:v3+s0+$0x0] =	vst.idx.msk vm1, v63  }
0x16f: {  	p1 =	seq.s32 s5, $0x3E  }
.Ltmp6:
0x170: {  	_ = 	snop;
	(pc) =	sbr.rel @p1 .LBB2_8-.Ltmp6, $1  }
0x171: {  	_ =	sdelay $0x3  }
0x172: {  	v3 =	vld [tilespmem:s6+$0x50];
	_ =	sdelay $0x4  }
0x173: {  	v4 =	vshll.u32 v3, $0x1  }
0x174: {  	v3 =	vand.u32 $0x7, v3;
	v4 =	vand.u32 $0xFFFFFFF0, v4  }
0x175: {  	v3 =	vor.u32 v3, v4  }
0x176: {  	v4 =	vperm.xlane v3, v0;
	_ =	sdelay $0x1  }
0x177: {  	v3 =	vperm.xlane v3, v2;
	v4 =	vadd.s32 v1, v4;
	_ =	sdelay $0x1  }
0x178: {  	v3 =	vadd.s32 v1, v3;
	_ =	sdelay $0x2  }
0x179: {  	[tilespmem:s10], [sflag:$0x1] =	stream.indirect_vreg.gather [hbm4b:s1+s3], $0x80, v4, vm0, $0xb8;
	[tilespmem:$0xDC00] =	vst v63  }
0x17a: {  	_ = 	snop  }
0x17b: {  	[tilespmem:s11], [sflag:$0x1] =	stream.indirect_vreg.gather [hbm4b:s1+s3], $0x80, v3, vm0, $0xb8;
	[tilespmem:$0xDC00] =	vst v63  }
0x17c: {  	v3 =	vld [tilespmem:s6+$0x60];
	_ =	sdelay $0x4  }
0x17d: {  	v59 =	vshll.u32 v3, $0x1  }
0x17e: {  	v3 =	vand.u32 $0x7, v3;
	v4 =	vand.u32 $0xFFFFFFF0, v59  }
0x17f: {  	v3 =	vor.u32 v3, v4  }
0x180: {  	v4 =	vperm.xlane v3, v0;
	_ =	sdelay $0x1  }
0x181: {  	v3 =	vperm.xlane v3, v2;
	v4 =	vadd.s32 v1, v4;
	_ =	sdelay $0x1  }
0x182: {  	v3 =	vadd.s32 v1, v3;
	_ =	sdelay $0x2  }
0x183: {  	[tilespmem:s12], [sflag:$0x1] =	stream.indirect_vreg.gather [hbm4b:s1+s3], $0x80, v4, vm0, $0xb8;
	[tilespmem:$0xDC00] =	vst v63  }
0x184: {  	_ = 	snop  }
0x185: {  	[tilespmem:s13], [sflag:$0x1] =	stream.indirect_vreg.gather [hbm4b:s1+s3], $0x80, v3, vm0, $0xb8;
	[tilespmem:$0xDC00] =	vst v63  }
0x186: {  	v3 =	vld.msk [tilespmem:s6+$0x70], $0xff;
	_ =	sdelay $0x4  }
0x187: {  	v60 =	vshll.u32 v3, $0x1  }
0x188: {  	v3 =	vand.u32 $0x7, v3;
	v4 =	vand.u32 $0xFFFFFFF0, v60  }
0x189: {  	v3 =	vor.u32 v3, v4  }
0x18a: {  	v3 =	vperm.xlane v3, v0;
	_ =	sdelay $0x1  }
0x18b: {  	v3 =	vadd.s32 v1, v3;
	_ =	sdelay $0x4  }
0x18c: {  	[tilespmem:s14], [sflag:$0x1] =	stream.indirect_vreg.gather [hbm4b:s1+s3], $0x80, v3, vm0, $0xb8;
	[tilespmem:$0xDC00] =	vst v63  }
0x18d: {  	v3 =	vld [tilespmem:s6+$0x1450];
	_ =	sdelay $0x4  }
0x18e: {  	v61 =	vshll.u32 v3, $0x1  }
0x18f: {  	v3 =	vand.u32 $0x7, v3;
	v4 =	vand.u32 $0xFFFFFFF0, v61  }
0x190: {  	v3 =	vor.u32 v3, v4  }
0x191: {  	v4 =	vperm.xlane v3, v0;
	_ =	sdelay $0x1  }
0x192: {  	v3 =	vperm.xlane v3, v2;
	v4 =	vadd.s32 v1, v4;
	_ =	sdelay $0x1  }
0x193: {  	v3 =	vadd.s32 v1, v3;
	_ =	sdelay $0x2  }
0x194: {  	[tilespmem:s15], [sflag:$0x1] =	stream.indirect_vreg.gather [hbm4b:s1+s3], $0x80, v4, vm0, $0xb8;
	[tilespmem:$0xDC00] =	vst v63  }
0x195: {  	_ = 	snop  }
0x196: {  	[tilespmem:s16], [sflag:$0x1] =	stream.indirect_vreg.gather [hbm4b:s1+s3], $0x80, v3, vm0, $0xb8;
	[tilespmem:$0xDC00] =	vst v63  }
0x197: {  	v3 =	vld [tilespmem:s6+$0x1460];
	_ =	sdelay $0x4  }
0x198: {  	v62 =	vshll.u32 v3, $0x1  }
0x199: {  	v3 =	vand.u32 $0x7, v3;
	v4 =	vand.u32 $0xFFFFFFF0, v62  }
0x19a: {  	v3 =	vor.u32 v3, v4  }
0x19b: {  	v4 =	vperm.xlane v3, v0;
	_ =	sdelay $0x1  }
0x19c: {  	v3 =	vperm.xlane v3, v2;
	v4 =	vadd.s32 v1, v4;
	_ =	sdelay $0x1  }
0x19d: {  	v3 =	vadd.s32 v1, v3;
	_ =	sdelay $0x2  }
0x19e: {  	[tilespmem:s17], [sflag:$0x1] =	stream.indirect_vreg.gather [hbm4b:s1+s3], $0x80, v4, vm0, $0xb8;
	[tilespmem:$0xDC00] =	vst v63  }
0x19f: {  	_ = 	snop  }
0x1a0: {  	[tilespmem:s18], [sflag:$0x1] =	stream.indirect_vreg.gather [hbm4b:s1+s3], $0x80, v3, vm0, $0xb8;
	[tilespmem:$0xDC00] =	vst v63  }
0x1a1: {  	v3 =	vld.msk [tilespmem:s6+$0x1470], $0xff;
	_ =	sdelay $0x4  }
0x1a2: {  	v63 =	vshll.u32 v3, $0x1  }
0x1a3: {  	v3 =	vand.u32 $0x7, v3;
	v4 =	vand.u32 $0xFFFFFFF0, v63  }
0x1a4: {  	v3 =	vor.u32 v3, v4  }
0x1a5: {  	v3 =	vperm.xlane v3, v0;
	_ =	sdelay $0x1  }
0x1a6: {  	v3 =	vadd.s32 v1, v3;
	_ =	sdelay $0x4  }
0x1a7: {  	[tilespmem:s19], [sflag:$0x1] =	stream.indirect_vreg.gather [hbm4b:s1+s3], $0x80, v3, vm0, $0xb8;
	[tilespmem:$0xDC00] =	vst v63  }
.LBB2_8:
.Ltmp7:
0x1a8: {  	(pc) =	sbr.rel @p0 .LBB2_11-.Ltmp7, $1  }
0x1a9: {  	_ =	sdelay $0x3  }
0x1aa: {  	_ =	swait.ge [sflag:s2], $0x2800  }
0x1ab: {  	[sflag:s2] =	ssyncset.done $0x0  }
0x1ac: {  	[sflag:s2] =	ssyncadd.s32 $0xFFFFD800  }
0x1ad: {  	s6 =	simm.s32 $0xFFFFFFFC;
	s7 =	simm.s32 $0x180;
	_ =	swait.ge [sflag:s2], $0x2800  }
0x1ae: {  	s8 =	simm.s32 $0x0;
	p0 =	por $0x0, $0x0;
	[sflag:s2] =	ssyncset.done $0x0  }
0x1af: {  	s9 =	simm.s32 $0x0;
	s20 =	simm.s32 $0x0;
	[sflag:s2] =	ssyncadd.s32 $0xFFFFD800  }
.LBB2_10:
0x1b0: {  	s22 =	sadd.s32 $0xFFFFFE80, s7  }
0x1b1: {  	s21 =	sand.u32 $0x3800, s9;
	s22 =	sand.u32 $0x200, s22  }
0x1b2: {  	s22 =	sor.u32 s22, s21  }
0x1b3: {  	v3 =	vld [tilespmem:s22+$0x7800]  }
0x1b4: {  	v4 =	vld [tilespmem:s22+$0xA000]  }
0x1b5: {  	v5 =	vld [tilespmem:s22+$0x7810]  }
0x1b6: {  	v6 =	vld [tilespmem:s22+$0xA010]  }
0x1b7: {  	v7 =	vld [tilespmem:s22+$0x7820]  }
0x1b8: {  	v8 =	vld [tilespmem:s22+$0xA020]  }
0x1b9: {  	v9 =	vld [tilespmem:s22+$0x7830]  }
0x1ba: {  	v10 =	vld [tilespmem:s22+$0xA030]  }
0x1bb: {  	v11 =	vld [tilespmem:s22+$0x7840]  }
0x1bc: {  	v12 =	vld [tilespmem:s22+$0xA040]  }
0x1bd: {  	v13 =	vld [tilespmem:s22+$0x7850]  }
0x1be: {  	s23 =	simm.s32 $0x1;
	v14 =	vld [tilespmem:s22+$0xA050]  }
0x1bf: {  	s23 =	simm.s32 @!p0 $0x0;
	v15 =	vld [tilespmem:s22+$0x7860]  }
0x1c0: {  	s23 =	sshll.u32 s23, $0x9;
	v16 =	vld [tilespmem:s22+$0xA060]  }
0x1c1: {  	v17 =	vld [tilespmem:s22+$0x7870];
	s23 =	sadd.s32 s23, s9  }
0x1c2: {  	v18 =	vld [tilespmem:s22+$0xA070];
	s24 =	sor.u32 $0x400, s23  }
0x1c3: {  	v19 =	vld [tilespmem:s24+$0x7800]  }
0x1c4: {  	s25 =	sor.u32 $0x410, s23;
	v20 =	vld [tilespmem:s24+$0xA000]  }
0x1c5: {  	v21 =	vld [tilespmem:s25+$0x7800]  }
0x1c6: {  	s26 =	sor.u32 $0x420, s23;
	v22 =	vld [tilespmem:s25+$0xA000]  }
0x1c7: {  	v23 =	vld [tilespmem:s26+$0x7800]  }
0x1c8: {  	v24 =	vld [tilespmem:s26+$0xA000];
	s24 =	sor.u32 $0x430, s23  }
0x1c9: {  	v25 =	vld [tilespmem:s24+$0x7800]  }
0x1ca: {  	s25 =	sor.u32 $0x440, s23;
	v26 =	vld [tilespmem:s24+$0xA000]  }
0x1cb: {  	v27 =	vld [tilespmem:s25+$0x7800]  }
0x1cc: {  	s26 =	sor.u32 $0x450, s23;
	v28 =	vld [tilespmem:s25+$0xA000]  }
0x1cd: {  	v29 =	vld [tilespmem:s26+$0x7800]  }
0x1ce: {  	v30 =	vld [tilespmem:s26+$0xA000];
	s24 =	sor.u32 $0x460, s23  }
0x1cf: {  	v42 =	vld [tilespmem:s24+$0x7800];
	v3 =	vmul.f32 v4, v3;
	v41 =	vmul.f32 v6, v5  }
0x1d0: {  	s25 =	sor.u32 $0x470, s23;
	v45 =	vld [tilespmem:s24+$0xA000];
	v43 =	vmul.f32 v8, v7;
	v44 =	vmul.f32 v12, v11  }
0x1d1: {  	v47 =	vld [tilespmem:s25+$0x7800];
	v9 =	vmul.f32 v10, v9;
	v46 =	vmul.f32 v14, v13  }
0x1d2: {  	v50 =	vld [tilespmem:s25+$0xA000];
	v48 =	vmul.f32 v16, v15;
	v49 =	vmul.f32 v18, v17;
	v3 =	vadd.f32 v44, v3  }
0x1d3: {  	v4 =	vadd.f32 v46, v41;
	v51 =	vmul.f32 v20, v19;
	v52 =	vmul.f32 v22, v21  }
0x1d4: {  	v6 =	vadd.f32 v48, v43;
	v53 =	vadd.f32 v49, v9;
	v54 =	vmul.f32 v24, v23  }
0x1d5: {  	v55 =	vmul.f32 v26, v25;
	v56 =	vmul.f32 v28, v27;
	v3 =	vadd.f32 v51, v3  }
0x1d6: {  	v57 =	vmul.f32 v30, v29;
	v4 =	vadd.f32 v52, v4;
	v6 =	vadd.f32 v54, v6  }
0x1d7: {  	v5 =	vmul.f32 v45, v42;
	v58 =	vmul.f32 v50, v47;
	v7 =	vadd.f32 v55, v53  }
0x1d8: {  	v3 =	vadd.f32 v56, v3;
	v4 =	vadd.f32 v57, v4  }
0x1d9: {  	v5 =	vadd.f32 v5, v6;
	v59 =	vadd.f32 v58, v7;
	_ =	sdelay $0x1  }
0x1da: {  	v3 =	vadd.f32 v4, v3;
	v60 =	vadd.f32 v59, v5;
	_ =	sdelay $0x1  }
0x1db: {  	v3 =	vadd.f32 v60, v3;
	_ =	sdelay $0x1  }
0x1dc: {  	(xrf2) =	vadd.scan.msk.f32 $0xffff, v3  }
0x1dd: {  	s22 =	sadd.s32 s6, s4  }
0x1de: {  	s26 =	sadd.s32 $0x2C, s22  }
0x1df: {  	v3 =	vmov s26  }
0x1e0: {  	v3 =	vand.u32 $0xFFFFFFFC, v3  }
0x1e1: {  	v3 =	vbroadcast v3, $0x0;
	_ =	sdelay $0x3  }
0x1e2: {  	s24 =	sadd.s32 $0xFFFFFF00, s7  }
0x1e3: {  	s23 =	sand.u32 $0x280, s24;
	v61, _, _ =	vpop (xrf2)  }
0x1e4: {  	s24 =	sor.u32 s21, s23;
	[tilespmem:v3+s0+$0x0] =	vst.idx.msk vm1, v61  }
0x1e5: {  	v3 =	vld [tilespmem:s24+$0x7800]  }
0x1e6: {  	v4 =	vld [tilespmem:s24+$0xA000]  }
0x1e7: {  	v62 =	vld [tilespmem:s24+$0x7810]  }
0x1e8: {  	v63 =	vld [tilespmem:s24+$0xA010]  }
0x1e9: {  	v33 =	vld [tilespmem:s24+$0x7820]  }
0x1ea: {  	v34 =	vld [tilespmem:s24+$0xA020]  }
0x1eb: {  	v35 =	vld [tilespmem:s24+$0x7830]  }
0x1ec: {  	v36 =	vld [tilespmem:s24+$0xA030]  }
0x1ed: {  	v37 =	vld [tilespmem:s24+$0x7840]  }
0x1ee: {  	v38 =	vld [tilespmem:s24+$0xA040]  }
0x1ef: {  	v39 =	vld [tilespmem:s24+$0x7850]  }
0x1f0: {  	s25 =	sand.u32 $0x7, s20;
	v40 =	vld [tilespmem:s24+$0xA050]  }
0x1f1: {  	s23 =	sshll.u32 s25, $0x7;
	v41 =	vld [tilespmem:s24+$0x7860]  }
0x1f2: {  	s23 =	sadd.s32 s9, s23;
	v42 =	vld [tilespmem:s24+$0xA060]  }
0x1f3: {  	s25 =	sadd.s32 $0x80, s23;
	v43 =	vld [tilespmem:s24+$0x7870]  }
0x1f4: {  	s26 =	sor.u32 $0x400, s25;
	v44 =	vld [tilespmem:s24+$0xA070]  }
0x1f5: {  	v45 =	vld [tilespmem:s26+$0x7800]  }
0x1f6: {  	v46 =	vld [tilespmem:s26+$0xA000];
	s26 =	sor.u32 $0x410, s25  }
0x1f7: {  	v47 =	vld [tilespmem:s26+$0x7800]  }
0x1f8: {  	v48 =	vld [tilespmem:s26+$0xA000];
	s26 =	sor.u32 $0x420, s25  }
0x1f9: {  	v49 =	vld [tilespmem:s26+$0x7800]  }
0x1fa: {  	v50 =	vld [tilespmem:s26+$0xA000];
	s26 =	sor.u32 $0x430, s25  }
0x1fb: {  	v51 =	vld [tilespmem:s26+$0x7800]  }
0x1fc: {  	v52 =	vld [tilespmem:s26+$0xA000];
	s26 =	sor.u32 $0x440, s25  }
0x1fd: {  	v53 =	vld [tilespmem:s26+$0x7800]  }
0x1fe: {  	v54 =	vld [tilespmem:s26+$0xA000];
	s26 =	sor.u32 $0x450, s25  }
0x1ff: {  	v55 =	vld [tilespmem:s26+$0x7800]  }
0x200: {  	v56 =	vld [tilespmem:s26+$0xA000];
	s26 =	sor.u32 $0x460, s25;
	v3 =	vmul.f32 v4, v3  }
0x201: {  	v57 =	vmul.f32 v63, v62;
	v59 =	vmul.f32 v34, v33;
	v58 =	vld [tilespmem:s26+$0x7800]  }
0x202: {  	v60 =	vmul.f32 v38, v37;
	s25 =	sor.u32 $0x470, s25;
	v9 =	vmul.f32 v36, v35;
	v61 =	vld [tilespmem:s26+$0xA000]  }
0x203: {  	v62 =	vmul.f32 v40, v39;
	v16 =	vmul.f32 v42, v41;
	v63 =	vld [tilespmem:s25+$0x7800]  }
0x204: {  	v17 =	vmul.f32 v44, v43;
	v20 =	vmul.f32 v46, v45;
	v18 =	vld [tilespmem:s25+$0xA000]  }
0x205: {  	v21 =	vmul.f32 v48, v47;
	v3 =	vadd.f32 v60, v3;
	v4 =	vadd.f32 v62, v57  }
0x206: {  	v6 =	vadd.f32 v16, v59;
	v22 =	vadd.f32 v17, v9;
	v24 =	vmul.f32 v50, v49  }
0x207: {  	v26 =	vmul.f32 v52, v51;
	v3 =	vadd.f32 v20, v3;
	v4 =	vadd.f32 v21, v4  }
0x208: {  	v6 =	vadd.f32 v24, v6;
	v28 =	vmul.f32 v54, v53;
	v30 =	vmul.f32 v56, v55  }
0x209: {  	v7 =	vadd.f32 v26, v22;
	v5 =	vmul.f32 v61, v58;
	v31 =	vmul.f32 v18, v63  }
0x20a: {  	v3 =	vadd.f32 v28, v3;
	v4 =	vadd.f32 v30, v4  }
0x20b: {  	v5 =	vadd.f32 v5, v6;
	v32 =	vadd.f32 v31, v7;
	_ =	sdelay $0x1  }
0x20c: {  	v3 =	vadd.f32 v4, v3;
	v33 =	vadd.f32 v32, v5;
	_ =	sdelay $0x1  }
0x20d: {  	v3 =	vadd.f32 v33, v3;
	_ =	sdelay $0x1  }
0x20e: {  	(xrf2) =	vadd.scan.msk.f32 $0xffff, v3;
	_ =	sdelay $0x1  }
0x20f: {  	s26 =	sadd.s32 $0x2D, s22  }
0x210: {  	v3 =	vmov s26  }
0x211: {  	v3 =	vand.u32 $0xFFFFFFFD, v3  }
0x212: {  	v3 =	vbroadcast v3, $0x0;
	_ =	sdelay $0x3  }
0x213: {  	s25 =	sadd.s32 $0xFFFFFF80, s7  }
0x214: {  	s24 =	sand.u32 $0x300, s25;
	v34, _, _ =	vpop (xrf2)  }
0x215: {  	s24 =	sor.u32 s21, s24;
	[tilespmem:v3+s0+$0x0] =	vst.idx.msk vm1, v34  }
0x216: {  	v3 =	vld [tilespmem:s24+$0x7800]  }
0x217: {  	v4 =	vld [tilespmem:s24+$0xA000]  }
0x218: {  	v35 =	vld [tilespmem:s24+$0x7810]  }
0x219: {  	v36 =	vld [tilespmem:s24+$0xA010]  }
0x21a: {  	v37 =	vld [tilespmem:s24+$0x7820]  }
0x21b: {  	v38 =	vld [tilespmem:s24+$0xA020]  }
0x21c: {  	v39 =	vld [tilespmem:s24+$0x7830]  }
0x21d: {  	v40 =	vld [tilespmem:s24+$0xA030]  }
0x21e: {  	v41 =	vld [tilespmem:s24+$0x7840]  }
0x21f: {  	v42 =	vld [tilespmem:s24+$0xA040]  }
0x220: {  	v43 =	vld [tilespmem:s24+$0x7850]  }
0x221: {  	s26 =	sand.u32 $0x3, s8;
	v44 =	vld [tilespmem:s24+$0xA050]  }
0x222: {  	s25 =	sshll.u32 s26, $0x8;
	v45 =	vld [tilespmem:s24+$0x7860]  }
0x223: {  	s25 =	sadd.s32 s9, s25;
	v46 =	vld [tilespmem:s24+$0xA060]  }
0x224: {  	s25 =	sadd.s32 $0x100, s25;
	v47 =	vld [tilespmem:s24+$0x7870]  }
0x225: {  	s26 =	sor.u32 $0x400, s25;
	v48 =	vld [tilespmem:s24+$0xA070]  }
0x226: {  	v49 =	vld [tilespmem:s26+$0x7800]  }
0x227: {  	v50 =	vld [tilespmem:s26+$0xA000];
	s26 =	sor.u32 $0x410, s25  }
0x228: {  	v51 =	vld [tilespmem:s26+$0x7800]  }
0x229: {  	v52 =	vld [tilespmem:s26+$0xA000];
	s26 =	sor.u32 $0x420, s25  }
0x22a: {  	v53 =	vld [tilespmem:s26+$0x7800]  }
0x22b: {  	v54 =	vld [tilespmem:s26+$0xA000];
	s26 =	sor.u32 $0x430, s25  }
0x22c: {  	v55 =	vld [tilespmem:s26+$0x7800]  }
0x22d: {  	v56 =	vld [tilespmem:s26+$0xA000];
	s26 =	sor.u32 $0x440, s25  }
0x22e: {  	v57 =	vld [tilespmem:s26+$0x7800]  }
0x22f: {  	v58 =	vld [tilespmem:s26+$0xA000];
	s26 =	sor.u32 $0x450, s25  }
0x230: {  	v59 =	vld [tilespmem:s26+$0x7800]  }
0x231: {  	v60 =	vld [tilespmem:s26+$0xA000];
	s26 =	sor.u32 $0x460, s25;
	v3 =	vmul.f32 v4, v3  }
0x232: {  	v61 =	vmul.f32 v36, v35;
	v63 =	vmul.f32 v38, v37;
	v62 =	vld [tilespmem:s26+$0x7800]  }
0x233: {  	v12 =	vmul.f32 v42, v41;
	v9 =	vmul.f32 v40, v39;
	v31 =	vld [tilespmem:s26+$0xA000];
	s26 =	sor.u32 $0x470, s25  }
0x234: {  	v32 =	vmul.f32 v44, v43;
	v34 =	vmul.f32 v46, v45;
	v33 =	vld [tilespmem:s26+$0x7800]  }
0x235: {  	v35 =	vmul.f32 v48, v47;
	v37 =	vmul.f32 v50, v49;
	v36 =	vld [tilespmem:s26+$0xA000]  }
0x236: {  	v38 =	vmul.f32 v52, v51;
	v3 =	vadd.f32 v12, v3;
	v4 =	vadd.f32 v32, v61  }
0x237: {  	v6 =	vadd.f32 v34, v63;
	v39 =	vadd.f32 v35, v9;
	v40 =	vmul.f32 v54, v53  }
0x238: {  	v41 =	vmul.f32 v56, v55;
	v3 =	vadd.f32 v37, v3;
	v4 =	vadd.f32 v38, v4  }
0x239: {  	v6 =	vadd.f32 v40, v6;
	v42 =	vmul.f32 v58, v57;
	v43 =	vmul.f32 v60, v59  }
0x23a: {  	v7 =	vadd.f32 v41, v39;
	v5 =	vmul.f32 v31, v62;
	v44 =	vmul.f32 v36, v33  }
0x23b: {  	v3 =	vadd.f32 v42, v3;
	v4 =	vadd.f32 v43, v4  }
0x23c: {  	v5 =	vadd.f32 v5, v6;
	v45 =	vadd.f32 v44, v7;
	_ =	sdelay $0x1  }
0x23d: {  	v3 =	vadd.f32 v4, v3;
	v46 =	vadd.f32 v45, v5;
	_ =	sdelay $0x1  }
0x23e: {  	v3 =	vadd.f32 v46, v3;
	_ =	sdelay $0x1  }
0x23f: {  	(xrf2) =	vadd.scan.msk.f32 $0xffff, v3;
	_ =	sdelay $0x1  }
0x240: {  	s25 =	sadd.s32 $0x2E, s22  }
0x241: {  	v3 =	vmov s25  }
0x242: {  	v3 =	vand.u32 $0xFFFFFFFE, v3  }
0x243: {  	v3 =	vbroadcast v3, $0x0;
	_ =	sdelay $0x4  }
0x244: {  	s26 =	sand.u32 $0x380, s7;
	v47, _, _ =	vpop (xrf2)  }
0x245: {  	s21 =	sor.u32 s21, s26;
	[tilespmem:v3+s0+$0x0] =	vst.idx.msk vm1, v47  }
0x246: {  	v3 =	vld [tilespmem:s21+$0x7800]  }
0x247: {  	v4 =	vld [tilespmem:s21+$0xA000]  }
0x248: {  	v48 =	vld [tilespmem:s21+$0x7810]  }
0x249: {  	v49 =	vld [tilespmem:s21+$0xA010]  }
0x24a: {  	v50 =	vld [tilespmem:s21+$0x7820]  }
0x24b: {  	v51 =	vld [tilespmem:s21+$0xA020]  }
0x24c: {  	v52 =	vld [tilespmem:s21+$0x7830]  }
0x24d: {  	v53 =	vld [tilespmem:s21+$0xA030]  }
0x24e: {  	v54 =	vld [tilespmem:s21+$0x7840]  }
0x24f: {  	v55 =	vld [tilespmem:s21+$0xA040]  }
0x250: {  	v56 =	vld [tilespmem:s21+$0x7850]  }
0x251: {  	v57 =	vld [tilespmem:s21+$0xA050]  }
0x252: {  	v58 =	vld [tilespmem:s21+$0x7860]  }
0x253: {  	v59 =	vld [tilespmem:s21+$0xA060]  }
0x254: {  	s23 =	sadd.s32 $0x180, s23;
	v60 =	vld [tilespmem:s21+$0x7870]  }
0x255: {  	s24 =	sor.u32 $0x400, s23;
	v61 =	vld [tilespmem:s21+$0xA070]  }
0x256: {  	v62 =	vld [tilespmem:s24+$0x7800]  }
0x257: {  	s25 =	sor.u32 $0x410, s23;
	v63 =	vld [tilespmem:s24+$0xA000]  }
0x258: {  	v33 =	vld [tilespmem:s25+$0x7800]  }
0x259: {  	s26 =	sor.u32 $0x420, s23;
	v34 =	vld [tilespmem:s25+$0xA000]  }
0x25a: {  	v35 =	vld [tilespmem:s26+$0x7800]  }
0x25b: {  	v36 =	vld [tilespmem:s26+$0xA000];
	s24 =	sor.u32 $0x430, s23  }
0x25c: {  	v37 =	vld [tilespmem:s24+$0x7800]  }
0x25d: {  	s25 =	sor.u32 $0x440, s23;
	v38 =	vld [tilespmem:s24+$0xA000]  }
0x25e: {  	v39 =	vld [tilespmem:s25+$0x7800]  }
0x25f: {  	s26 =	sor.u32 $0x450, s23;
	v40 =	vld [tilespmem:s25+$0xA000]  }
0x260: {  	v41 =	vld [tilespmem:s26+$0x7800]  }
0x261: {  	v42 =	vld [tilespmem:s26+$0xA000];
	s24 =	sor.u32 $0x460, s23;
	v3 =	vmul.f32 v4, v3;
	v43 =	vmul.f32 v49, v48  }
0x262: {  	v44 =	vld [tilespmem:s24+$0x7800];
	v45 =	vmul.f32 v51, v50;
	v46 =	vmul.f32 v55, v54  }
0x263: {  	s25 =	sor.u32 $0x470, s23;
	v47 =	vld [tilespmem:s24+$0xA000];
	v9 =	vmul.f32 v53, v52;
	v48 =	vmul.f32 v57, v56  }
0x264: {  	v49 =	vld [tilespmem:s25+$0x7800];
	v50 =	vmul.f32 v59, v58;
	v51 =	vmul.f32 v61, v60  }
0x265: {  	v52 =	vld [tilespmem:s25+$0xA000];
	v53 =	vmul.f32 v63, v62;
	v54 =	vmul.f32 v34, v33  }
0x266: {  	v56 =	vmul.f32 v36, v35;
	v57 =	vmul.f32 v38, v37  }
0x267: {  	v58 =	vmul.f32 v40, v39;
	v3 =	vadd.f32 v46, v3;
	v4 =	vadd.f32 v48, v43  }
0x268: {  	v59 =	vmul.f32 v42, v41;
	v6 =	vadd.f32 v50, v45;
	v55 =	vadd.f32 v51, v9  }
0x269: {  	v5 =	vmul.f32 v47, v44;
	v3 =	vadd.f32 v53, v3;
	v4 =	vadd.f32 v54, v4  }
0x26a: {  	v6 =	vadd.f32 v56, v6;
	v7 =	vadd.f32 v57, v55;
	v60 =	vmul.f32 v52, v49  }
0x26b: {  	v3 =	vadd.f32 v58, v3;
	v4 =	vadd.f32 v59, v4  }
0x26c: {  	v5 =	vadd.f32 v5, v6;
	v61 =	vadd.f32 v60, v7;
	_ =	sdelay $0x1  }
0x26d: {  	v3 =	vadd.f32 v4, v3;
	v62 =	vadd.f32 v61, v5;
	_ =	sdelay $0x1  }
0x26e: {  	v3 =	vadd.f32 v62, v3;
	_ =	sdelay $0x1  }
0x26f: {  	(xrf2) =	vadd.scan.msk.f32 $0xffff, v3;
	_ =	sdelay $0x4  }
0x270: {  	s6 =	sadd.s32 $0x4, s6;
	s26 =	sadd.s32 $0x2F, s22  }
0x271: {  	p1 =	slt.u32 s6, $0x24;
	v3 =	vmov s26  }
.Ltmp8:
0x272: {  	_ = 	snop;
	(pc) =	sbr.rel @p1 .LBB2_10-.Ltmp8, $3  }
0x273: {  	_ =	sdelay $0x1  }
0x274: {  	p0 =	por !p0, !p0;
	s20 =	sadd.s32 $0x4, s20;
	v63, _, _ =	vpop (xrf2)  }
0x275: {  	s8 =	sadd.s32 $0x2, s8;
	s9 =	sadd.s32 $0x400, s9;
	s7 =	sadd.s32 $0x200, s7;
	[tilespmem:v3+s0+$0x0] =	vst.idx.msk vm1, v63  }
.Ltmp9:
0x276: {  	_ = 	snop;
	(pc) =	sbr.rel .LBB2_11-.Ltmp9, $1  }
0x277: {  	_ =	sdelay $0x3  }
.LBB2_13:
0x278: {  	_ =	sfence.sel $0x180000  }
0x279: {  	[bflag:$0x0] =	sbarrier.arrive $0xFFFF  }
0x27a: {  	_ =	strace $0x90000047  }
0x27b: {  	s0 =	stileid.u32;
	[bflag:$0x2] =	sbarrier.arrive $0xFFFF  }
0x27c: {  	p0 =	sne.s32 s0, $0x0;
	s0 =	rddreg [dreg:$0x4]  }
0x27d: {  	s0 =	sadd.s32 @!p0 $0x100000, s0  }
0x27e: {  	[sflag:s0] =	ssyncadd.tile.s32 @!p0 $0x1;
	_ =	shalt  }
.Lfunc_end2:
_tile_overlayer_lowered:
.L_overlay_start_2:
0x27f: {  	(tag) =	ssettag $0x2  }
0x280: {  	s0 =	rddreg [dreg:$0x0];
	s2 =	stileid.u32  }
0x281: {  	s1 =	rddreg [dreg:$0x1];
	p0 =	sne.s32 s2, $0x0  }
0x282: {  	s3 =	rddreg [dreg:$0x2];
	[bflag:$0x3] =	sbarrier.arrive $0xFFFF;
	s2 =	simm.s32 @!p0 $0x1C03  }
0x283: {  	[timem:s3], [sflag:s2] =	dma.local @!p0 [hbm:s0], s1  }
0x284: {  	s0 =	simm.s32 @!p0 $0x3  }
0x285: {  	_ =	swait.ge @!p0 [sflag:s0], s1  }
0x286: {  	s1 =	ssub.s32 @!p0 $0x0, s1;
	[sflag:s0] =	ssyncset.done @!p0 $0x0  }
0x287: {  	[sflag:s0] =	ssyncadd.s32 @!p0 s1  }
0x288: {  	[bflag:$0x3] =	sbarrier.arrive $0xFFFF  }
0x289: {  	_ =	shalt  }

</sc_bundles>
